<compile_context>
chip_gen: v7x
topology: tpu7x:2x2x1
jax: 0.10.2.dev20260603
libtpu: 0.0.44.dev20260713+nightly
codegen_flags: <defaults>
</compile_context>

<pallas_src>
import functools

import jax
import jax.numpy as jnp
from jax import lax
from jax.experimental import pallas as pl
from jax.experimental.pallas import tpu as pltpu
from jax.experimental.pallas import tpu_sc as plsc

VOCAB = 100000
D = 128
B = 4096
H = 50
TOTAL = B * H

NC = 2
NS = 16
NW = NC * NS
B_PER_W = TOTAL // NW
CHUNK = 128
NCH = B_PER_W // CHUNK
NBUF = 5
PG = 3
PW = NBUF - PG


def _make_sc_gather():
    mesh = plsc.VectorSubcoreMesh(core_axis_name="c", subcore_axis_name="s")

    @functools.partial(
        pl.kernel,
        mesh=mesh,
        out_type=jax.ShapeDtypeStruct((TOTAL, D), jnp.float32),
        scratch_types=[
            pltpu.VMEM((NCH, CHUNK), jnp.int32),
            pltpu.VMEM((NBUF, CHUNK, D), jnp.float32),
        ]
        + [pltpu.SemaphoreType.DMA] * (2 * NBUF),
    )
    def emb(idx_hbm, table_hbm, out_hbm, idx_v, rows_v, *sems):
        sem_g, sem_w = sems[:NBUF], sems[NBUF:]
        wid = lax.axis_index("s") * NC + lax.axis_index("c")
        base = wid * B_PER_W
        pltpu.sync_copy(idx_hbm.at[wid], idx_v)
        for b in range(PG):
            pltpu.async_copy(table_hbm.at[idx_v.at[b]], rows_v.at[b], sem_g[b])

        def out_slice(j):
            return out_hbm.at[pl.ds(base + j * CHUNK, CHUNK)]

        def body(i, carry):
            for b in range(NBUF):
                j = i * NBUF + b
                pltpu.make_async_copy(
                    table_hbm.at[idx_v.at[j]], rows_v.at[b], sem_g[b]).wait()
                pltpu.async_copy(rows_v.at[b], out_slice(j), sem_w[b])
                jf = j + PG
                bf = (b + PG) % NBUF

                @pl.when(jf < NCH)
                def _(jf=jf, bf=bf, j=j):
                    @pl.when(j >= PW)
                    def _():
                        pltpu.make_async_copy(
                            rows_v.at[bf], out_slice(0), sem_w[bf]).wait()
                    pltpu.async_copy(
                        table_hbm.at[idx_v.at[jf]], rows_v.at[bf], sem_g[bf])
            return carry

        lax.fori_loop(0, NCH // NBUF, body, 0)
        for b in range(NBUF):
            pltpu.make_async_copy(rows_v.at[b], out_slice(0), sem_w[b]).wait()

    return emb


_sc_gather = _make_sc_gather()


def kernel(input_tokens, weight):
    idx = input_tokens.reshape(NW, NCH, CHUNK).astype(jnp.int32)
    out = _sc_gather(idx, weight)
    return out.reshape(B, H, D)

# --- scband reference (transcript-rebuilt; emitter-appended) ---
"""Pipeline reference for scband-tensor-rtcompatible-embedding-30064771072487 (READ-ONLY COPY).

The authoritative reference and input builder live on the scoring server;
editing this copy changes nothing except your own understanding.
"""

import jax, jax.numpy as jnp
import numpy as np

VOCAB_SIZE = 100000
EMBED_DIM = 128
BATCH = 4096
HIST = 50

def setup_inputs(seed: int = 0) -> dict:
    key = jax.random.key(seed)
    k_idx, k_w = jax.random.split(key)
    input_tokens = jax.random.randint(k_idx, (BATCH, HIST), 0, VOCAB_SIZE, dtype=jnp.int64 if jax.config.jax_enable_x64 else jnp.int32)
    weight = jax.random.normal(k_w, (VOCAB_SIZE, EMBED_DIM), dtype=jnp.float32) * 0.02
    return {"input_tokens": input_tokens, "weight": weight}

def reference(input_tokens, weight):
    # embedding lookup: gather rows of weight by token ids
    embeddings = jnp.take(weight, input_tokens, axis=0)
    # out_dtype defaults to float32 in the original module
    return embeddings.astype(jnp.float32)

if __name__ == "__main__":
    import jax
    _d = setup_inputs()
    print(jax.jit(kernel)(*tuple(_d.values())))

</pallas_src>

<mosaic_0001>
#map = affine_map<(d0, d1) -> (0, 0, 0)>
#map1 = affine_map<(d0, d1) -> (0, 0)>
module attributes {stable_mosaic.version = 14 : i64} {
  func.func @emb(%arg0: i32, %arg1: i32, %arg2: memref<32x50x128xi32, #tpu.memory_space<hbm>>, %arg3: memref<100000x128xf32, #tpu.memory_space<hbm>>, %arg4: memref<204800x128xf32, #tpu.memory_space<hbm>>, %arg5: memref<50x128xi32, #tpu.memory_space<vmem>>, %arg6: memref<5x128x128xf32, #tpu.memory_space<vmem>>, %arg7: memref<!tpu.dma_semaphore, #tpu.memory_space<semaphore_mem>>, %arg8: memref<!tpu.dma_semaphore, #tpu.memory_space<semaphore_mem>>, %arg9: memref<!tpu.dma_semaphore, #tpu.memory_space<semaphore_mem>>, %arg10: memref<!tpu.dma_semaphore, #tpu.memory_space<semaphore_mem>>, %arg11: memref<!tpu.dma_semaphore, #tpu.memory_space<semaphore_mem>>, %arg12: memref<!tpu.dma_semaphore, #tpu.memory_space<semaphore_mem>>, %arg13: memref<!tpu.dma_semaphore, #tpu.memory_space<semaphore_mem>>, %arg14: memref<!tpu.dma_semaphore, #tpu.memory_space<semaphore_mem>>, %arg15: memref<!tpu.dma_semaphore, #tpu.memory_space<semaphore_mem>>, %arg16: memref<!tpu.dma_semaphore, #tpu.memory_space<semaphore_mem>>) attributes {dimension_semantics = [#tpu.dimension_semantics<core_parallel>, #tpu.dimension_semantics<subcore_parallel>], iteration_bounds = array<i64: 2, 16>, scalar_prefetch = 0 : i64, scratch_operands = 12 : i64, tpu.core_type = #tpu.core_type<sc_vector_subcore>, window_params = [{transform_indices = #map}, {transform_indices = #map1}, {transform_indices = #map1}]} {
    %mul3A = arith.constant 2 : i32
    %mul3A_0 = arith.muli %arg1, %mul3A : i32
    %add3A = arith.addi %mul3A_0, %arg0 : i32
    %mul3A_1 = arith.constant 6400 : i32
    %mul3A_2 = arith.muli %add3A, %mul3A_1 : i32
    "tpu.region"() ({
      %run_scoped3A = tpu.sem_alloc : memref<!tpu.dma_semaphore, #tpu.memory_space<semaphore_mem>>
      %dma_start3A_117 = arith.constant 0 : i32
      %dma_start3A_118 = arith.constant 0 : i32
      %dma_start3A_119 = tpu.memref_slice %arg2[%add3A, %dma_start3A_117, %dma_start3A_118] : memref<32x50x128xi32, #tpu.memory_space<hbm>> -> memref<1x50x128xi32, #tpu.memory_space<hbm>>
      %dma_start3A_120 = tpu.memref_squeeze %dma_start3A_119 : memref<1x50x128xi32, #tpu.memory_space<hbm>> -> memref<50x128xi32, #tpu.memory_space<hbm>>
      %dma_start3A_121 = arith.constant 0 : i32
      %dma_start3A_122 = arith.constant 0 : i32
      %dma_start3A_123 = tpu.memref_slice %arg2[%add3A, %dma_start3A_121, %dma_start3A_122] : memref<32x50x128xi32, #tpu.memory_space<hbm>> -> memref<1x50x128xi32, #tpu.memory_space<hbm>>
      %dma_start3A_124 = tpu.memref_squeeze %dma_start3A_123 : memref<1x50x128xi32, #tpu.memory_space<hbm>> -> memref<50x128xi32, #tpu.memory_space<hbm>>
      tpu.enqueue_dma source(%dma_start3A_124 : memref<50x128xi32, #tpu.memory_space<hbm>>) target(%arg5 : memref<50x128xi32, #tpu.memory_space<vmem>>) target_semaphore(%run_scoped3A : memref<!tpu.dma_semaphore, #tpu.memory_space<semaphore_mem>>)
      %dma_wait3A_125 = arith.constant 0 : i32
      %dma_wait3A_126 = arith.constant 0 : i32
      %dma_wait3A_127 = tpu.memref_slice %arg2[%add3A, %dma_wait3A_125, %dma_wait3A_126] : memref<32x50x128xi32, #tpu.memory_space<hbm>> -> memref<1x50x128xi32, #tpu.memory_space<hbm>>
      %dma_wait3A_128 = tpu.memref_squeeze %dma_wait3A_127 : memref<1x50x128xi32, #tpu.memory_space<hbm>> -> memref<50x128xi32, #tpu.memory_space<hbm>>
      %dma_wait3A_129 = arith.constant 0 : i32
      %dma_wait3A_130 = arith.constant 0 : i32
      %dma_wait3A_131 = tpu.memref_slice %arg2[%add3A, %dma_wait3A_129, %dma_wait3A_130] : memref<32x50x128xi32, #tpu.memory_space<hbm>> -> memref<1x50x128xi32, #tpu.memory_space<hbm>>
      %dma_wait3A_132 = tpu.memref_squeeze %dma_wait3A_131 : memref<1x50x128xi32, #tpu.memory_space<hbm>> -> memref<50x128xi32, #tpu.memory_space<hbm>>
      tpu.wait_dma2 semaphore(%run_scoped3A : memref<!tpu.dma_semaphore, #tpu.memory_space<semaphore_mem>>) src(%dma_wait3A_132 : memref<50x128xi32, #tpu.memory_space<hbm>>) dst(%arg5 : memref<50x128xi32, #tpu.memory_space<vmem>>)
      tpu.yield
    }) : () -> ()
    %dma_start3A = arith.constant 0 : i32
    %dma_start3A_3 = arith.constant 0 : i32
    %dma_start3A_4 = arith.constant 0 : i32
    %dma_start3A_5 = arith.constant 0 : i32
    %dma_start3A_6 = tpu.memref_slice %arg6[%dma_start3A_3, %dma_start3A_4, %dma_start3A_5] : memref<5x128x128xf32, #tpu.memory_space<vmem>> -> memref<1x128x128xf32, #tpu.memory_space<vmem>>
    %dma_start3A_7 = tpu.memref_squeeze %dma_start3A_6 : memref<1x128x128xf32, #tpu.memory_space<vmem>> -> memref<128x128xf32, #tpu.memory_space<vmem>>
    %dma_start3A_8 = arith.constant 0 : i32
    %dma_start3A_9 = tpu.memref_slice %arg5[%dma_start3A, %dma_start3A_8] : memref<50x128xi32, #tpu.memory_space<vmem>> -> memref<1x128xi32, #tpu.memory_space<vmem>>
    %dma_start3A_10 = tpu.memref_squeeze %dma_start3A_9 : memref<1x128xi32, #tpu.memory_space<vmem>> -> memref<128xi32, #tpu.memory_space<vmem>>
    %dma_start3A_11 = arith.constant 0 : i32
    %dma_start3A_12 = arith.constant 0 : i32
    %dma_start3A_13 = tpu.memref_slice %arg3[%dma_start3A_11, %dma_start3A_12] : memref<100000x128xf32, #tpu.memory_space<hbm>> -> memref<100000x128xf32, #tpu.memory_space<hbm>>
    tpu.enqueue_indirect_dma source(%dma_start3A_13 : memref<100000x128xf32, #tpu.memory_space<hbm>>) target(%dma_start3A_7 : memref<128x128xf32, #tpu.memory_space<vmem>>) offsets(%dma_start3A_10 : memref<128xi32, #tpu.memory_space<vmem>>) semaphore(%arg7 : memref<!tpu.dma_semaphore, #tpu.memory_space<semaphore_mem>>)
    %dma_start3A_14 = arith.constant 1 : i32
    %dma_start3A_15 = arith.constant 1 : i32
    %dma_start3A_16 = arith.constant 0 : i32
    %dma_start3A_17 = arith.constant 0 : i32
    %dma_start3A_18 = tpu.memref_slice %arg6[%dma_start3A_15, %dma_start3A_16, %dma_start3A_17] : memref<5x128x128xf32, #tpu.memory_space<vmem>> -> memref<1x128x128xf32, #tpu.memory_space<vmem>>
    %dma_start3A_19 = tpu.memref_squeeze %dma_start3A_18 : memref<1x128x128xf32, #tpu.memory_space<vmem>> -> memref<128x128xf32, #tpu.memory_space<vmem>>
    %dma_start3A_20 = arith.constant 0 : i32
    %dma_start3A_21 = tpu.memref_slice %arg5[%dma_start3A_14, %dma_start3A_20] : memref<50x128xi32, #tpu.memory_space<vmem>> -> memref<1x128xi32, #tpu.memory_space<vmem>>
    %dma_start3A_22 = tpu.memref_squeeze %dma_start3A_21 : memref<1x128xi32, #tpu.memory_space<vmem>> -> memref<128xi32, #tpu.memory_space<vmem>>
    %dma_start3A_23 = arith.constant 0 : i32
    %dma_start3A_24 = arith.constant 0 : i32
    %dma_start3A_25 = tpu.memref_slice %arg3[%dma_start3A_23, %dma_start3A_24] : memref<100000x128xf32, #tpu.memory_space<hbm>> -> memref<100000x128xf32, #tpu.memory_space<hbm>>
    tpu.enqueue_indirect_dma source(%dma_start3A_25 : memref<100000x128xf32, #tpu.memory_space<hbm>>) target(%dma_start3A_19 : memref<128x128xf32, #tpu.memory_space<vmem>>) offsets(%dma_start3A_22 : memref<128xi32, #tpu.memory_space<vmem>>) semaphore(%arg8 : memref<!tpu.dma_semaphore, #tpu.memory_space<semaphore_mem>>)
    %dma_start3A_26 = arith.constant 2 : i32
    %dma_start3A_27 = arith.constant 2 : i32
    %dma_start3A_28 = arith.constant 0 : i32
    %dma_start3A_29 = arith.constant 0 : i32
    %dma_start3A_30 = tpu.memref_slice %arg6[%dma_start3A_27, %dma_start3A_28, %dma_start3A_29] : memref<5x128x128xf32, #tpu.memory_space<vmem>> -> memref<1x128x128xf32, #tpu.memory_space<vmem>>
    %dma_start3A_31 = tpu.memref_squeeze %dma_start3A_30 : memref<1x128x128xf32, #tpu.memory_space<vmem>> -> memref<128x128xf32, #tpu.memory_space<vmem>>
    %dma_start3A_32 = arith.constant 0 : i32
    %dma_start3A_33 = tpu.memref_slice %arg5[%dma_start3A_26, %dma_start3A_32] : memref<50x128xi32, #tpu.memory_space<vmem>> -> memref<1x128xi32, #tpu.memory_space<vmem>>
    %dma_start3A_34 = tpu.memref_squeeze %dma_start3A_33 : memref<1x128xi32, #tpu.memory_space<vmem>> -> memref<128xi32, #tpu.memory_space<vmem>>
    %dma_start3A_35 = arith.constant 0 : i32
    %dma_start3A_36 = arith.constant 0 : i32
    %dma_start3A_37 = tpu.memref_slice %arg3[%dma_start3A_35, %dma_start3A_36] : memref<100000x128xf32, #tpu.memory_space<hbm>> -> memref<100000x128xf32, #tpu.memory_space<hbm>>
    tpu.enqueue_indirect_dma source(%dma_start3A_37 : memref<100000x128xf32, #tpu.memory_space<hbm>>) target(%dma_start3A_31 : memref<128x128xf32, #tpu.memory_space<vmem>>) offsets(%dma_start3A_34 : memref<128xi32, #tpu.memory_space<vmem>>) semaphore(%arg9 : memref<!tpu.dma_semaphore, #tpu.memory_space<semaphore_mem>>)
    %scan3A = arith.constant 0 : i32
    %scan3A_38 = arith.constant 0 : i32
    %scan3A_39 = arith.constant 10 : i32
    %scan3A_40 = arith.addi %scan3A_38, %scan3A_39 : i32
    %scan3A_41 = arith.constant 1 : i32
    scf.for %scan3A_117 = %scan3A_38 to %scan3A_40 step %scan3A_41  : i32 {
      %mul3A_118 = arith.constant 5 : i32
      %mul3A_119 = arith.muli %scan3A_117, %mul3A_118 : i32
      %add3A_120 = arith.constant 0 : i32
      %add3A_121 = arith.addi %mul3A_119, %add3A_120 : i32
      %dma_wait3A_122 = arith.constant 0 : i32
      %dma_wait3A_123 = arith.constant 0 : i32
      %dma_wait3A_124 = arith.constant 0 : i32
      %dma_wait3A_125 = tpu.memref_slice %arg6[%dma_wait3A_122, %dma_wait3A_123, %dma_wait3A_124] : memref<5x128x128xf32, #tpu.memory_space<vmem>> -> memref<1x128x128xf32, #tpu.memory_space<vmem>>
      %dma_wait3A_126 = tpu.memref_squeeze %dma_wait3A_125 : memref<1x128x128xf32, #tpu.memory_space<vmem>> -> memref<128x128xf32, #tpu.memory_space<vmem>>
      %dma_wait3A_127 = arith.constant 0 : i32
      %dma_wait3A_128 = tpu.memref_slice %arg5[%add3A_121, %dma_wait3A_127] : memref<50x128xi32, #tpu.memory_space<vmem>> -> memref<1x128xi32, #tpu.memory_space<vmem>>
      %dma_wait3A_129 = tpu.memref_squeeze %dma_wait3A_128 : memref<1x128xi32, #tpu.memory_space<vmem>> -> memref<128xi32, #tpu.memory_space<vmem>>
      %dma_wait3A_130 = arith.constant 0 : i32
      %dma_wait3A_131 = arith.constant 0 : i32
      %dma_wait3A_132 = tpu.memref_slice %arg3[%dma_wait3A_130, %dma_wait3A_131] : memref<100000x128xf32, #tpu.memory_space<hbm>> -> memref<100000x128xf32, #tpu.memory_space<hbm>>
      tpu.wait_indirect_dma semaphore(%arg7 : memref<!tpu.dma_semaphore, #tpu.memory_space<semaphore_mem>>) src(%dma_wait3A_132 : memref<100000x128xf32, #tpu.memory_space<hbm>>) dst(%dma_wait3A_126 : memref<128x128xf32, #tpu.memory_space<vmem>>)
      %mul3A_133 = arith.constant 128 : i32
      %mul3A_134 = arith.muli %add3A_121, %mul3A_133 : i32
      %add3A_135 = arith.addi %mul3A_2, %mul3A_134 : i32
      %dma_start3A_136 = arith.constant 0 : i32
      %dma_start3A_137 = arith.constant 0 : i32
      %dma_start3A_138 = arith.constant 0 : i32
      %dma_start3A_139 = tpu.memref_slice %arg6[%dma_start3A_136, %dma_start3A_137, %dma_start3A_138] : memref<5x128x128xf32, #tpu.memory_space<vmem>> -> memref<1x128x128xf32, #tpu.memory_space<vmem>>
      %dma_start3A_140 = tpu.memref_squeeze %dma_start3A_139 : memref<1x128x128xf32, #tpu.memory_space<vmem>> -> memref<128x128xf32, #tpu.memory_space<vmem>>
      %dma_start3A_141 = arith.constant 0 : i32
      %dma_start3A_142 = tpu.memref_slice %arg4[%add3A_135, %dma_start3A_141] : memref<204800x128xf32, #tpu.memory_space<hbm>> -> memref<128x128xf32, #tpu.memory_space<hbm>>
      %dma_start3A_143 = arith.constant 0 : i32
      %dma_start3A_144 = tpu.memref_slice %arg4[%add3A_135, %dma_start3A_143] : memref<204800x128xf32, #tpu.memory_space<hbm>> -> memref<128x128xf32, #tpu.memory_space<hbm>>
      %dma_start3A_145 = arith.constant 0 : i32
      %dma_start3A_146 = arith.constant 0 : i32
      %dma_start3A_147 = tpu.memref_slice %arg6[%dma_start3A_136, %dma_start3A_145, %dma_start3A_146] : memref<5x128x128xf32, #tpu.memory_space<vmem>> -> memref<1x128x128xf32, #tpu.memory_space<vmem>>
      %dma_start3A_148 = tpu.memref_squeeze %dma_start3A_147 : memref<1x128x128xf32, #tpu.memory_space<vmem>> -> memref<128x128xf32, #tpu.memory_space<vmem>>
      tpu.enqueue_dma source(%dma_start3A_148 : memref<128x128xf32, #tpu.memory_space<vmem>>) target(%dma_start3A_144 : memref<128x128xf32, #tpu.memory_space<hbm>>) target_semaphore(%arg12 : memref<!tpu.dma_semaphore, #tpu.memory_space<semaphore_mem>>)
      %add3A_149 = arith.constant 3 : i32
      %add3A_150 = arith.addi %add3A_121, %add3A_149 : i32
      %lt3A = arith.constant 50 : i32
      %lt3A_151 = arith.cmpi slt, %add3A_150, %lt3A : i32
      %convert_element_type3A = arith.extui %lt3A_151 : i1 to i32
      %cond3A = arith.constant 0 : i32
      %cond3A_152 = arith.cmpi ne, %convert_element_type3A, %cond3A : i32
      scf.if %cond3A_152 {
        %ge3A = arith.constant 2 : i32
        %ge3A_305 = arith.cmpi sge, %add3A_121, %ge3A : i32
        %convert_element_type3A_306 = arith.extui %ge3A_305 : i1 to i32
        %cond3A_307 = arith.constant 0 : i32
        %cond3A_308 = arith.cmpi ne, %convert_element_type3A_306, %cond3A_307 : i32
        scf.if %cond3A_308 {
          %add3A_320 = arith.constant 0 : i32
          %add3A_321 = arith.addi %mul3A_2, %add3A_320 : i32
          %dma_wait3A_322 = arith.constant 3 : i32
          %dma_wait3A_323 = arith.constant 0 : i32
          %dma_wait3A_324 = arith.constant 0 : i32
          %dma_wait3A_325 = tpu.memref_slice %arg6[%dma_wait3A_322, %dma_wait3A_323, %dma_wait3A_324] : memref<5x128x128xf32, #tpu.memory_space<vmem>> -> memref<1x128x128xf32, #tpu.memory_space<vmem>>
          %dma_wait3A_326 = tpu.memref_squeeze %dma_wait3A_325 : memref<1x128x128xf32, #tpu.memory_space<vmem>> -> memref<128x128xf32, #tpu.memory_space<vmem>>
          %dma_wait3A_327 = arith.constant 0 : i32
          %dma_wait3A_328 = tpu.memref_slice %arg4[%add3A_321, %dma_wait3A_327] : memref<204800x128xf32, #tpu.memory_space<hbm>> -> memref<128x128xf32, #tpu.memory_space<hbm>>
          %dma_wait3A_329 = arith.constant 0 : i32
          %dma_wait3A_330 = tpu.memref_slice %arg4[%add3A_321, %dma_wait3A_329] : memref<204800x128xf32, #tpu.memory_space<hbm>> -> memref<128x128xf32, #tpu.memory_space<hbm>>
          %dma_wait3A_331 = arith.constant 0 : i32
          %dma_wait3A_332 = arith.constant 0 : i32
          %dma_wait3A_333 = tpu.memref_slice %arg6[%dma_wait3A_322, %dma_wait3A_331, %dma_wait3A_332] : memref<5x128x128xf32, #tpu.memory_space<vmem>> -> memref<1x128x128xf32, #tpu.memory_space<vmem>>
          %dma_wait3A_334 = tpu.memref_squeeze %dma_wait3A_333 : memref<1x128x128xf32, #tpu.memory_space<vmem>> -> memref<128x128xf32, #tpu.memory_space<vmem>>
          tpu.wait_dma2 semaphore(%arg15 : memref<!tpu.dma_semaphore, #tpu.memory_space<semaphore_mem>>) src(%dma_wait3A_334 : memref<128x128xf32, #tpu.memory_space<vmem>>) dst(%dma_wait3A_330 : memref<128x128xf32, #tpu.memory_space<hbm>>)
        } else {
        }
        %dma_start3A_309 = arith.constant 3 : i32
        %dma_start3A_310 = arith.constant 0 : i32
        %dma_start3A_311 = arith.constant 0 : i32
        %dma_start3A_312 = tpu.memref_slice %arg6[%dma_start3A_309, %dma_start3A_310, %dma_start3A_311] : memref<5x128x128xf32, #tpu.memory_space<vmem>> -> memref<1x128x128xf32, #tpu.memory_space<vmem>>
        %dma_start3A_313 = tpu.memref_squeeze %dma_start3A_312 : memref<1x128x128xf32, #tpu.memory_space<vmem>> -> memref<128x128xf32, #tpu.memory_space<vmem>>
        %dma_start3A_314 = arith.constant 0 : i32
        %dma_start3A_315 = tpu.memref_slice %arg5[%add3A_150, %dma_start3A_314] : memref<50x128xi32, #tpu.memory_space<vmem>> -> memref<1x128xi32, #tpu.memory_space<vmem>>
        %dma_start3A_316 = tpu.memref_squeeze %dma_start3A_315 : memref<1x128xi32, #tpu.memory_space<vmem>> -> memref<128xi32, #tpu.memory_space<vmem>>
        %dma_start3A_317 = arith.constant 0 : i32
        %dma_start3A_318 = arith.constant 0 : i32
        %dma_start3A_319 = tpu.memref_slice %arg3[%dma_start3A_317, %dma_start3A_318] : memref<100000x128xf32, #tpu.memory_space<hbm>> -> memref<100000x128xf32, #tpu.memory_space<hbm>>
        tpu.enqueue_indirect_dma source(%dma_start3A_319 : memref<100000x128xf32, #tpu.memory_space<hbm>>) target(%dma_start3A_313 : memref<128x128xf32, #tpu.memory_space<vmem>>) offsets(%dma_start3A_316 : memref<128xi32, #tpu.memory_space<vmem>>) semaphore(%arg10 : memref<!tpu.dma_semaphore, #tpu.memory_space<semaphore_mem>>)
      } else {
      }
      %mul3A_153 = arith.constant 5 : i32
      %mul3A_154 = arith.muli %scan3A_117, %mul3A_153 : i32
      %add3A_155 = arith.constant 1 : i32
      %add3A_156 = arith.addi %mul3A_154, %add3A_155 : i32
      %dma_wait3A_157 = arith.constant 1 : i32
      %dma_wait3A_158 = arith.constant 0 : i32
      %dma_wait3A_159 = arith.constant 0 : i32
      %dma_wait3A_160 = tpu.memref_slice %arg6[%dma_wait3A_157, %dma_wait3A_158, %dma_wait3A_159] : memref<5x128x128xf32, #tpu.memory_space<vmem>> -> memref<1x128x128xf32, #tpu.memory_space<vmem>>
      %dma_wait3A_161 = tpu.memref_squeeze %dma_wait3A_160 : memref<1x128x128xf32, #tpu.memory_space<vmem>> -> memref<128x128xf32, #tpu.memory_space<vmem>>
      %dma_wait3A_162 = arith.constant 0 : i32
      %dma_wait3A_163 = tpu.memref_slice %arg5[%add3A_156, %dma_wait3A_162] : memref<50x128xi32, #tpu.memory_space<vmem>> -> memref<1x128xi32, #tpu.memory_space<vmem>>
      %dma_wait3A_164 = tpu.memref_squeeze %dma_wait3A_163 : memref<1x128xi32, #tpu.memory_space<vmem>> -> memref<128xi32, #tpu.memory_space<vmem>>
      %dma_wait3A_165 = arith.constant 0 : i32
      %dma_wait3A_166 = arith.constant 0 : i32
      %dma_wait3A_167 = tpu.memref_slice %arg3[%dma_wait3A_165, %dma_wait3A_166] : memref<100000x128xf32, #tpu.memory_space<hbm>> -> memref<100000x128xf32, #tpu.memory_space<hbm>>
      tpu.wait_indirect_dma semaphore(%arg8 : memref<!tpu.dma_semaphore, #tpu.memory_space<semaphore_mem>>) src(%dma_wait3A_167 : memref<100000x128xf32, #tpu.memory_space<hbm>>) dst(%dma_wait3A_161 : memref<128x128xf32, #tpu.memory_space<vmem>>)
      %mul3A_168 = arith.constant 128 : i32
      %mul3A_169 = arith.muli %add3A_156, %mul3A_168 : i32
      %add3A_170 = arith.addi %mul3A_2, %mul3A_169 : i32
      %dma_start3A_171 = arith.constant 1 : i32
      %dma_start3A_172 = arith.constant 0 : i32
      %dma_start3A_173 = arith.constant 0 : i32
      %dma_start3A_174 = tpu.memref_slice %arg6[%dma_start3A_171, %dma_start3A_172, %dma_start3A_173] : memref<5x128x128xf32, #tpu.memory_space<vmem>> -> memref<1x128x128xf32, #tpu.memory_space<vmem>>
      %dma_start3A_175 = tpu.memref_squeeze %dma_start3A_174 : memref<1x128x128xf32, #tpu.memory_space<vmem>> -> memref<128x128xf32, #tpu.memory_space<vmem>>
      %dma_start3A_176 = arith.constant 0 : i32
      %dma_start3A_177 = tpu.memref_slice %arg4[%add3A_170, %dma_start3A_176] : memref<204800x128xf32, #tpu.memory_space<hbm>> -> memref<128x128xf32, #tpu.memory_space<hbm>>
      %dma_start3A_178 = arith.constant 0 : i32
      %dma_start3A_179 = tpu.memref_slice %arg4[%add3A_170, %dma_start3A_178] : memref<204800x128xf32, #tpu.memory_space<hbm>> -> memref<128x128xf32, #tpu.memory_space<hbm>>
      %dma_start3A_180 = arith.constant 0 : i32
      %dma_start3A_181 = arith.constant 0 : i32
      %dma_start3A_182 = tpu.memref_slice %arg6[%dma_start3A_171, %dma_start3A_180, %dma_start3A_181] : memref<5x128x128xf32, #tpu.memory_space<vmem>> -> memref<1x128x128xf32, #tpu.memory_space<vmem>>
      %dma_start3A_183 = tpu.memref_squeeze %dma_start3A_182 : memref<1x128x128xf32, #tpu.memory_space<vmem>> -> memref<128x128xf32, #tpu.memory_space<vmem>>
      tpu.enqueue_dma source(%dma_start3A_183 : memref<128x128xf32, #tpu.memory_space<vmem>>) target(%dma_start3A_179 : memref<128x128xf32, #tpu.memory_space<hbm>>) target_semaphore(%arg13 : memref<!tpu.dma_semaphore, #tpu.memory_space<semaphore_mem>>)
      %add3A_184 = arith.constant 3 : i32
      %add3A_185 = arith.addi %add3A_156, %add3A_184 : i32
      %lt3A_186 = arith.constant 50 : i32
      %lt3A_187 = arith.cmpi slt, %add3A_185, %lt3A_186 : i32
      %convert_element_type3A_188 = arith.extui %lt3A_187 : i1 to i32
      %cond3A_189 = arith.constant 0 : i32
      %cond3A_190 = arith.cmpi ne, %convert_element_type3A_188, %cond3A_189 : i32
      scf.if %cond3A_190 {
        %ge3A = arith.constant 2 : i32
        %ge3A_305 = arith.cmpi sge, %add3A_156, %ge3A : i32
        %convert_element_type3A_306 = arith.extui %ge3A_305 : i1 to i32
        %cond3A_307 = arith.constant 0 : i32
        %cond3A_308 = arith.cmpi ne, %convert_element_type3A_306, %cond3A_307 : i32
        scf.if %cond3A_308 {
          %add3A_320 = arith.constant 0 : i32
          %add3A_321 = arith.addi %mul3A_2, %add3A_320 : i32
          %dma_wait3A_322 = arith.constant 4 : i32
          %dma_wait3A_323 = arith.constant 0 : i32
          %dma_wait3A_324 = arith.constant 0 : i32
          %dma_wait3A_325 = tpu.memref_slice %arg6[%dma_wait3A_322, %dma_wait3A_323, %dma_wait3A_324] : memref<5x128x128xf32, #tpu.memory_space<vmem>> -> memref<1x128x128xf32, #tpu.memory_space<vmem>>
          %dma_wait3A_326 = tpu.memref_squeeze %dma_wait3A_325 : memref<1x128x128xf32, #tpu.memory_space<vmem>> -> memref<128x128xf32, #tpu.memory_space<vmem>>
          %dma_wait3A_327 = arith.constant 0 : i32
          %dma_wait3A_328 = tpu.memref_slice %arg4[%add3A_321, %dma_wait3A_327] : memref<204800x128xf32, #tpu.memory_space<hbm>> -> memref<128x128xf32, #tpu.memory_space<hbm>>
          %dma_wait3A_329 = arith.constant 0 : i32
          %dma_wait3A_330 = tpu.memref_slice %arg4[%add3A_321, %dma_wait3A_329] : memref<204800x128xf32, #tpu.memory_space<hbm>> -> memref<128x128xf32, #tpu.memory_space<hbm>>
          %dma_wait3A_331 = arith.constant 0 : i32
          %dma_wait3A_332 = arith.constant 0 : i32
          %dma_wait3A_333 = tpu.memref_slice %arg6[%dma_wait3A_322, %dma_wait3A_331, %dma_wait3A_332] : memref<5x128x128xf32, #tpu.memory_space<vmem>> -> memref<1x128x128xf32, #tpu.memory_space<vmem>>
          %dma_wait3A_334 = tpu.memref_squeeze %dma_wait3A_333 : memref<1x128x128xf32, #tpu.memory_space<vmem>> -> memref<128x128xf32, #tpu.memory_space<vmem>>
          tpu.wait_dma2 semaphore(%arg16 : memref<!tpu.dma_semaphore, #tpu.memory_space<semaphore_mem>>) src(%dma_wait3A_334 : memref<128x128xf32, #tpu.memory_space<vmem>>) dst(%dma_wait3A_330 : memref<128x128xf32, #tpu.memory_space<hbm>>)
        } else {
        }
        %dma_start3A_309 = arith.constant 4 : i32
        %dma_start3A_310 = arith.constant 0 : i32
        %dma_start3A_311 = arith.constant 0 : i32
        %dma_start3A_312 = tpu.memref_slice %arg6[%dma_start3A_309, %dma_start3A_310, %dma_start3A_311] : memref<5x128x128xf32, #tpu.memory_space<vmem>> -> memref<1x128x128xf32, #tpu.memory_space<vmem>>
        %dma_start3A_313 = tpu.memref_squeeze %dma_start3A_312 : memref<1x128x128xf32, #tpu.memory_space<vmem>> -> memref<128x128xf32, #tpu.memory_space<vmem>>
        %dma_start3A_314 = arith.constant 0 : i32
        %dma_start3A_315 = tpu.memref_slice %arg5[%add3A_185, %dma_start3A_314] : memref<50x128xi32, #tpu.memory_space<vmem>> -> memref<1x128xi32, #tpu.memory_space<vmem>>
        %dma_start3A_316 = tpu.memref_squeeze %dma_start3A_315 : memref<1x128xi32, #tpu.memory_space<vmem>> -> memref<128xi32, #tpu.memory_space<vmem>>
        %dma_start3A_317 = arith.constant 0 : i32
        %dma_start3A_318 = arith.constant 0 : i32
        %dma_start3A_319 = tpu.memref_slice %arg3[%dma_start3A_317, %dma_start3A_318] : memref<100000x128xf32, #tpu.memory_space<hbm>> -> memref<100000x128xf32, #tpu.memory_space<hbm>>
        tpu.enqueue_indirect_dma source(%dma_start3A_319 : memref<100000x128xf32, #tpu.memory_space<hbm>>) target(%dma_start3A_313 : memref<128x128xf32, #tpu.memory_space<vmem>>) offsets(%dma_start3A_316 : memref<128xi32, #tpu.memory_space<vmem>>) semaphore(%arg11 : memref<!tpu.dma_semaphore, #tpu.memory_space<semaphore_mem>>)
      } else {
      }
      %mul3A_191 = arith.constant 5 : i32
      %mul3A_192 = arith.muli %scan3A_117, %mul3A_191 : i32
      %add3A_193 = arith.constant 2 : i32
      %add3A_194 = arith.addi %mul3A_192, %add3A_193 : i32
      %dma_wait3A_195 = arith.constant 2 : i32
      %dma_wait3A_196 = arith.constant 0 : i32
      %dma_wait3A_197 = arith.constant 0 : i32
      %dma_wait3A_198 = tpu.memref_slice %arg6[%dma_wait3A_195, %dma_wait3A_196, %dma_wait3A_197] : memref<5x128x128xf32, #tpu.memory_space<vmem>> -> memref<1x128x128xf32, #tpu.memory_space<vmem>>
      %dma_wait3A_199 = tpu.memref_squeeze %dma_wait3A_198 : memref<1x128x128xf32, #tpu.memory_space<vmem>> -> memref<128x128xf32, #tpu.memory_space<vmem>>
      %dma_wait3A_200 = arith.constant 0 : i32
      %dma_wait3A_201 = tpu.memref_slice %arg5[%add3A_194, %dma_wait3A_200] : memref<50x128xi32, #tpu.memory_space<vmem>> -> memref<1x128xi32, #tpu.memory_space<vmem>>
      %dma_wait3A_202 = tpu.memref_squeeze %dma_wait3A_201 : memref<1x128xi32, #tpu.memory_space<vmem>> -> memref<128xi32, #tpu.memory_space<vmem>>
      %dma_wait3A_203 = arith.constant 0 : i32
      %dma_wait3A_204 = arith.constant 0 : i32
      %dma_wait3A_205 = tpu.memref_slice %arg3[%dma_wait3A_203, %dma_wait3A_204] : memref<100000x128xf32, #tpu.memory_space<hbm>> -> memref<100000x128xf32, #tpu.memory_space<hbm>>
      tpu.wait_indirect_dma semaphore(%arg9 : memref<!tpu.dma_semaphore, #tpu.memory_space<semaphore_mem>>) src(%dma_wait3A_205 : memref<100000x128xf32, #tpu.memory_space<hbm>>) dst(%dma_wait3A_199 : memref<128x128xf32, #tpu.memory_space<vmem>>)
      %mul3A_206 = arith.constant 128 : i32
      %mul3A_207 = arith.muli %add3A_194, %mul3A_206 : i32
      %add3A_208 = arith.addi %mul3A_2, %mul3A_207 : i32
      %dma_start3A_209 = arith.constant 2 : i32
      %dma_start3A_210 = arith.constant 0 : i32
      %dma_start3A_211 = arith.constant 0 : i32
      %dma_start3A_212 = tpu.memref_slice %arg6[%dma_start3A_209, %dma_start3A_210, %dma_start3A_211] : memref<5x128x128xf32, #tpu.memory_space<vmem>> -> memref<1x128x128xf32, #tpu.memory_space<vmem>>
      %dma_start3A_213 = tpu.memref_squeeze %dma_start3A_212 : memref<1x128x128xf32, #tpu.memory_space<vmem>> -> memref<128x128xf32, #tpu.memory_space<vmem>>
      %dma_start3A_214 = arith.constant 0 : i32
      %dma_start3A_215 = tpu.memref_slice %arg4[%add3A_208, %dma_start3A_214] : memref<204800x128xf32, #tpu.memory_space<hbm>> -> memref<128x128xf32, #tpu.memory_space<hbm>>
      %dma_start3A_216 = arith.constant 0 : i32
      %dma_start3A_217 = tpu.memref_slice %arg4[%add3A_208, %dma_start3A_216] : memref<204800x128xf32, #tpu.memory_space<hbm>> -> memref<128x128xf32, #tpu.memory_space<hbm>>
      %dma_start3A_218 = arith.constant 0 : i32
      %dma_start3A_219 = arith.constant 0 : i32
      %dma_start3A_220 = tpu.memref_slice %arg6[%dma_start3A_209, %dma_start3A_218, %dma_start3A_219] : memref<5x128x128xf32, #tpu.memory_space<vmem>> -> memref<1x128x128xf32, #tpu.memory_space<vmem>>
      %dma_start3A_221 = tpu.memref_squeeze %dma_start3A_220 : memref<1x128x128xf32, #tpu.memory_space<vmem>> -> memref<128x128xf32, #tpu.memory_space<vmem>>
      tpu.enqueue_dma source(%dma_start3A_221 : memref<128x128xf32, #tpu.memory_space<vmem>>) target(%dma_start3A_217 : memref<128x128xf32, #tpu.memory_space<hbm>>) target_semaphore(%arg14 : memref<!tpu.dma_semaphore, #tpu.memory_space<semaphore_mem>>)
      %add3A_222 = arith.constant 3 : i32
      %add3A_223 = arith.addi %add3A_194, %add3A_222 : i32
      %lt3A_224 = arith.constant 50 : i32
      %lt3A_225 = arith.cmpi slt, %add3A_223, %lt3A_224 : i32
      %convert_element_type3A_226 = arith.extui %lt3A_225 : i1 to i32
      %cond3A_227 = arith.constant 0 : i32
      %cond3A_228 = arith.cmpi ne, %convert_element_type3A_226, %cond3A_227 : i32
      scf.if %cond3A_228 {
        %ge3A = arith.constant 2 : i32
        %ge3A_305 = arith.cmpi sge, %add3A_194, %ge3A : i32
        %convert_element_type3A_306 = arith.extui %ge3A_305 : i1 to i32
        %cond3A_307 = arith.constant 0 : i32
        %cond3A_308 = arith.cmpi ne, %convert_element_type3A_306, %cond3A_307 : i32
        scf.if %cond3A_308 {
          %add3A_320 = arith.constant 0 : i32
          %add3A_321 = arith.addi %mul3A_2, %add3A_320 : i32
          %dma_wait3A_322 = arith.constant 0 : i32
          %dma_wait3A_323 = arith.constant 0 : i32
          %dma_wait3A_324 = arith.constant 0 : i32
          %dma_wait3A_325 = tpu.memref_slice %arg6[%dma_wait3A_322, %dma_wait3A_323, %dma_wait3A_324] : memref<5x128x128xf32, #tpu.memory_space<vmem>> -> memref<1x128x128xf32, #tpu.memory_space<vmem>>
          %dma_wait3A_326 = tpu.memref_squeeze %dma_wait3A_325 : memref<1x128x128xf32, #tpu.memory_space<vmem>> -> memref<128x128xf32, #tpu.memory_space<vmem>>
          %dma_wait3A_327 = arith.constant 0 : i32
          %dma_wait3A_328 = tpu.memref_slice %arg4[%add3A_321, %dma_wait3A_327] : memref<204800x128xf32, #tpu.memory_space<hbm>> -> memref<128x128xf32, #tpu.memory_space<hbm>>
          %dma_wait3A_329 = arith.constant 0 : i32
          %dma_wait3A_330 = tpu.memref_slice %arg4[%add3A_321, %dma_wait3A_329] : memref<204800x128xf32, #tpu.memory_space<hbm>> -> memref<128x128xf32, #tpu.memory_space<hbm>>
          %dma_wait3A_331 = arith.constant 0 : i32
          %dma_wait3A_332 = arith.constant 0 : i32
          %dma_wait3A_333 = tpu.memref_slice %arg6[%dma_wait3A_322, %dma_wait3A_331, %dma_wait3A_332] : memref<5x128x128xf32, #tpu.memory_space<vmem>> -> memref<1x128x128xf32, #tpu.memory_space<vmem>>
          %dma_wait3A_334 = tpu.memref_squeeze %dma_wait3A_333 : memref<1x128x128xf32, #tpu.memory_space<vmem>> -> memref<128x128xf32, #tpu.memory_space<vmem>>
          tpu.wait_dma2 semaphore(%arg12 : memref<!tpu.dma_semaphore, #tpu.memory_space<semaphore_mem>>) src(%dma_wait3A_334 : memref<128x128xf32, #tpu.memory_space<vmem>>) dst(%dma_wait3A_330 : memref<128x128xf32, #tpu.memory_space<hbm>>)
        } else {
        }
        %dma_start3A_309 = arith.constant 0 : i32
        %dma_start3A_310 = arith.constant 0 : i32
        %dma_start3A_311 = arith.constant 0 : i32
        %dma_start3A_312 = tpu.memref_slice %arg6[%dma_start3A_309, %dma_start3A_310, %dma_start3A_311] : memref<5x128x128xf32, #tpu.memory_space<vmem>> -> memref<1x128x128xf32, #tpu.memory_space<vmem>>
        %dma_start3A_313 = tpu.memref_squeeze %dma_start3A_312 : memref<1x128x128xf32, #tpu.memory_space<vmem>> -> memref<128x128xf32, #tpu.memory_space<vmem>>
        %dma_start3A_314 = arith.constant 0 : i32
        %dma_start3A_315 = tpu.memref_slice %arg5[%add3A_223, %dma_start3A_314] : memref<50x128xi32, #tpu.memory_space<vmem>> -> memref<1x128xi32, #tpu.memory_space<vmem>>
        %dma_start3A_316 = tpu.memref_squeeze %dma_start3A_315 : memref<1x128xi32, #tpu.memory_space<vmem>> -> memref<128xi32, #tpu.memory_space<vmem>>
        %dma_start3A_317 = arith.constant 0 : i32
        %dma_start3A_318 = arith.constant 0 : i32
        %dma_start3A_319 = tpu.memref_slice %arg3[%dma_start3A_317, %dma_start3A_318] : memref<100000x128xf32, #tpu.memory_space<hbm>> -> memref<100000x128xf32, #tpu.memory_space<hbm>>
        tpu.enqueue_indirect_dma source(%dma_start3A_319 : memref<100000x128xf32, #tpu.memory_space<hbm>>) target(%dma_start3A_313 : memref<128x128xf32, #tpu.memory_space<vmem>>) offsets(%dma_start3A_316 : memref<128xi32, #tpu.memory_space<vmem>>) semaphore(%arg7 : memref<!tpu.dma_semaphore, #tpu.memory_space<semaphore_mem>>)
      } else {
      }
      %mul3A_229 = arith.constant 5 : i32
      %mul3A_230 = arith.muli %scan3A_117, %mul3A_229 : i32
      %add3A_231 = arith.constant 3 : i32
      %add3A_232 = arith.addi %mul3A_230, %add3A_231 : i32
      %dma_wait3A_233 = arith.constant 3 : i32
      %dma_wait3A_234 = arith.constant 0 : i32
      %dma_wait3A_235 = arith.constant 0 : i32
      %dma_wait3A_236 = tpu.memref_slice %arg6[%dma_wait3A_233, %dma_wait3A_234, %dma_wait3A_235] : memref<5x128x128xf32, #tpu.memory_space<vmem>> -> memref<1x128x128xf32, #tpu.memory_space<vmem>>
      %dma_wait3A_237 = tpu.memref_squeeze %dma_wait3A_236 : memref<1x128x128xf32, #tpu.memory_space<vmem>> -> memref<128x128xf32, #tpu.memory_space<vmem>>
      %dma_wait3A_238 = arith.constant 0 : i32
      %dma_wait3A_239 = tpu.memref_slice %arg5[%add3A_232, %dma_wait3A_238] : memref<50x128xi32, #tpu.memory_space<vmem>> -> memref<1x128xi32, #tpu.memory_space<vmem>>
      %dma_wait3A_240 = tpu.memref_squeeze %dma_wait3A_239 : memref<1x128xi32, #tpu.memory_space<vmem>> -> memref<128xi32, #tpu.memory_space<vmem>>
      %dma_wait3A_241 = arith.constant 0 : i32
      %dma_wait3A_242 = arith.constant 0 : i32
      %dma_wait3A_243 = tpu.memref_slice %arg3[%dma_wait3A_241, %dma_wait3A_242] : memref<100000x128xf32, #tpu.memory_space<hbm>> -> memref<100000x128xf32, #tpu.memory_space<hbm>>
      tpu.wait_indirect_dma semaphore(%arg10 : memref<!tpu.dma_semaphore, #tpu.memory_space<semaphore_mem>>) src(%dma_wait3A_243 : memref<100000x128xf32, #tpu.memory_space<hbm>>) dst(%dma_wait3A_237 : memref<128x128xf32, #tpu.memory_space<vmem>>)
      %mul3A_244 = arith.constant 128 : i32
      %mul3A_245 = arith.muli %add3A_232, %mul3A_244 : i32
      %add3A_246 = arith.addi %mul3A_2, %mul3A_245 : i32
      %dma_start3A_247 = arith.constant 3 : i32
      %dma_start3A_248 = arith.constant 0 : i32
      %dma_start3A_249 = arith.constant 0 : i32
      %dma_start3A_250 = tpu.memref_slice %arg6[%dma_start3A_247, %dma_start3A_248, %dma_start3A_249] : memref<5x128x128xf32, #tpu.memory_space<vmem>> -> memref<1x128x128xf32, #tpu.memory_space<vmem>>
      %dma_start3A_251 = tpu.memref_squeeze %dma_start3A_250 : memref<1x128x128xf32, #tpu.memory_space<vmem>> -> memref<128x128xf32, #tpu.memory_space<vmem>>
      %dma_start3A_252 = arith.constant 0 : i32
      %dma_start3A_253 = tpu.memref_slice %arg4[%add3A_246, %dma_start3A_252] : memref<204800x128xf32, #tpu.memory_space<hbm>> -> memref<128x128xf32, #tpu.memory_space<hbm>>
      %dma_start3A_254 = arith.constant 0 : i32
      %dma_start3A_255 = tpu.memref_slice %arg4[%add3A_246, %dma_start3A_254] : memref<204800x128xf32, #tpu.memory_space<hbm>> -> memref<128x128xf32, #tpu.memory_space<hbm>>
      %dma_start3A_256 = arith.constant 0 : i32
      %dma_start3A_257 = arith.constant 0 : i32
      %dma_start3A_258 = tpu.memref_slice %arg6[%dma_start3A_247, %dma_start3A_256, %dma_start3A_257] : memref<5x128x128xf32, #tpu.memory_space<vmem>> -> memref<1x128x128xf32, #tpu.memory_space<vmem>>
      %dma_start3A_259 = tpu.memref_squeeze %dma_start3A_258 : memref<1x128x128xf32, #tpu.memory_space<vmem>> -> memref<128x128xf32, #tpu.memory_space<vmem>>
      tpu.enqueue_dma source(%dma_start3A_259 : memref<128x128xf32, #tpu.memory_space<vmem>>) target(%dma_start3A_255 : memref<128x128xf32, #tpu.memory_space<hbm>>) target_semaphore(%arg15 : memref<!tpu.dma_semaphore, #tpu.memory_space<semaphore_mem>>)
      %add3A_260 = arith.constant 3 : i32
      %add3A_261 = arith.addi %add3A_232, %add3A_260 : i32
      %lt3A_262 = arith.constant 50 : i32
      %lt3A_263 = arith.cmpi slt, %add3A_261, %lt3A_262 : i32
      %convert_element_type3A_264 = arith.extui %lt3A_263 : i1 to i32
      %cond3A_265 = arith.constant 0 : i32
      %cond3A_266 = arith.cmpi ne, %convert_element_type3A_264, %cond3A_265 : i32
      scf.if %cond3A_266 {
        %ge3A = arith.constant 2 : i32
        %ge3A_305 = arith.cmpi sge, %add3A_232, %ge3A : i32
        %convert_element_type3A_306 = arith.extui %ge3A_305 : i1 to i32
        %cond3A_307 = arith.constant 0 : i32
        %cond3A_308 = arith.cmpi ne, %convert_element_type3A_306, %cond3A_307 : i32
        scf.if %cond3A_308 {
          %add3A_320 = arith.constant 0 : i32
          %add3A_321 = arith.addi %mul3A_2, %add3A_320 : i32
          %dma_wait3A_322 = arith.constant 1 : i32
          %dma_wait3A_323 = arith.constant 0 : i32
          %dma_wait3A_324 = arith.constant 0 : i32
          %dma_wait3A_325 = tpu.memref_slice %arg6[%dma_wait3A_322, %dma_wait3A_323, %dma_wait3A_324] : memref<5x128x128xf32, #tpu.memory_space<vmem>> -> memref<1x128x128xf32, #tpu.memory_space<vmem>>
          %dma_wait3A_326 = tpu.memref_squeeze %dma_wait3A_325 : memref<1x128x128xf32, #tpu.memory_space<vmem>> -> memref<128x128xf32, #tpu.memory_space<vmem>>
          %dma_wait3A_327 = arith.constant 0 : i32
          %dma_wait3A_328 = tpu.memref_slice %arg4[%add3A_321, %dma_wait3A_327] : memref<204800x128xf32, #tpu.memory_space<hbm>> -> memref<128x128xf32, #tpu.memory_space<hbm>>
          %dma_wait3A_329 = arith.constant 0 : i32
          %dma_wait3A_330 = tpu.memref_slice %arg4[%add3A_321, %dma_wait3A_329] : memref<204800x128xf32, #tpu.memory_space<hbm>> -> memref<128x128xf32, #tpu.memory_space<hbm>>
          %dma_wait3A_331 = arith.constant 0 : i32
          %dma_wait3A_332 = arith.constant 0 : i32
          %dma_wait3A_333 = tpu.memref_slice %arg6[%dma_wait3A_322, %dma_wait3A_331, %dma_wait3A_332] : memref<5x128x128xf32, #tpu.memory_space<vmem>> -> memref<1x128x128xf32, #tpu.memory_space<vmem>>
          %dma_wait3A_334 = tpu.memref_squeeze %dma_wait3A_333 : memref<1x128x128xf32, #tpu.memory_space<vmem>> -> memref<128x128xf32, #tpu.memory_space<vmem>>
          tpu.wait_dma2 semaphore(%arg13 : memref<!tpu.dma_semaphore, #tpu.memory_space<semaphore_mem>>) src(%dma_wait3A_334 : memref<128x128xf32, #tpu.memory_space<vmem>>) dst(%dma_wait3A_330 : memref<128x128xf32, #tpu.memory_space<hbm>>)
        } else {
        }
        %dma_start3A_309 = arith.constant 1 : i32
        %dma_start3A_310 = arith.constant 0 : i32
        %dma_start3A_311 = arith.constant 0 : i32
        %dma_start3A_312 = tpu.memref_slice %arg6[%dma_start3A_309, %dma_start3A_310, %dma_start3A_311] : memref<5x128x128xf32, #tpu.memory_space<vmem>> -> memref<1x128x128xf32, #tpu.memory_space<vmem>>
        %dma_start3A_313 = tpu.memref_squeeze %dma_start3A_312 : memref<1x128x128xf32, #tpu.memory_space<vmem>> -> memref<128x128xf32, #tpu.memory_space<vmem>>
        %dma_start3A_314 = arith.constant 0 : i32
        %dma_start3A_315 = tpu.memref_slice %arg5[%add3A_261, %dma_start3A_314] : memref<50x128xi32, #tpu.memory_space<vmem>> -> memref<1x128xi32, #tpu.memory_space<vmem>>
        %dma_start3A_316 = tpu.memref_squeeze %dma_start3A_315 : memref<1x128xi32, #tpu.memory_space<vmem>> -> memref<128xi32, #tpu.memory_space<vmem>>
        %dma_start3A_317 = arith.constant 0 : i32
        %dma_start3A_318 = arith.constant 0 : i32
        %dma_start3A_319 = tpu.memref_slice %arg3[%dma_start3A_317, %dma_start3A_318] : memref<100000x128xf32, #tpu.memory_space<hbm>> -> memref<100000x128xf32, #tpu.memory_space<hbm>>
        tpu.enqueue_indirect_dma source(%dma_start3A_319 : memref<100000x128xf32, #tpu.memory_space<hbm>>) target(%dma_start3A_313 : memref<128x128xf32, #tpu.memory_space<vmem>>) offsets(%dma_start3A_316 : memref<128xi32, #tpu.memory_space<vmem>>) semaphore(%arg8 : memref<!tpu.dma_semaphore, #tpu.memory_space<semaphore_mem>>)
      } else {
      }
      %mul3A_267 = arith.constant 5 : i32
      %mul3A_268 = arith.muli %scan3A_117, %mul3A_267 : i32
      %add3A_269 = arith.constant 4 : i32
      %add3A_270 = arith.addi %mul3A_268, %add3A_269 : i32
      %dma_wait3A_271 = arith.constant 4 : i32
      %dma_wait3A_272 = arith.constant 0 : i32
      %dma_wait3A_273 = arith.constant 0 : i32
      %dma_wait3A_274 = tpu.memref_slice %arg6[%dma_wait3A_271, %dma_wait3A_272, %dma_wait3A_273] : memref<5x128x128xf32, #tpu.memory_space<vmem>> -> memref<1x128x128xf32, #tpu.memory_space<vmem>>
      %dma_wait3A_275 = tpu.memref_squeeze %dma_wait3A_274 : memref<1x128x128xf32, #tpu.memory_space<vmem>> -> memref<128x128xf32, #tpu.memory_space<vmem>>
      %dma_wait3A_276 = arith.constant 0 : i32
      %dma_wait3A_277 = tpu.memref_slice %arg5[%add3A_270, %dma_wait3A_276] : memref<50x128xi32, #tpu.memory_space<vmem>> -> memref<1x128xi32, #tpu.memory_space<vmem>>
      %dma_wait3A_278 = tpu.memref_squeeze %dma_wait3A_277 : memref<1x128xi32, #tpu.memory_space<vmem>> -> memref<128xi32, #tpu.memory_space<vmem>>
      %dma_wait3A_279 = arith.constant 0 : i32
      %dma_wait3A_280 = arith.constant 0 : i32
      %dma_wait3A_281 = tpu.memref_slice %arg3[%dma_wait3A_279, %dma_wait3A_280] : memref<100000x128xf32, #tpu.memory_space<hbm>> -> memref<100000x128xf32, #tpu.memory_space<hbm>>
      tpu.wait_indirect_dma semaphore(%arg11 : memref<!tpu.dma_semaphore, #tpu.memory_space<semaphore_mem>>) src(%dma_wait3A_281 : memref<100000x128xf32, #tpu.memory_space<hbm>>) dst(%dma_wait3A_275 : memref<128x128xf32, #tpu.memory_space<vmem>>)
      %mul3A_282 = arith.constant 128 : i32
      %mul3A_283 = arith.muli %add3A_270, %mul3A_282 : i32
      %add3A_284 = arith.addi %mul3A_2, %mul3A_283 : i32
      %dma_start3A_285 = arith.constant 4 : i32
      %dma_start3A_286 = arith.constant 0 : i32
      %dma_start3A_287 = arith.constant 0 : i32
      %dma_start3A_288 = tpu.memref_slice %arg6[%dma_start3A_285, %dma_start3A_286, %dma_start3A_287] : memref<5x128x128xf32, #tpu.memory_space<vmem>> -> memref<1x128x128xf32, #tpu.memory_space<vmem>>
      %dma_start3A_289 = tpu.memref_squeeze %dma_start3A_288 : memref<1x128x128xf32, #tpu.memory_space<vmem>> -> memref<128x128xf32, #tpu.memory_space<vmem>>
      %dma_start3A_290 = arith.constant 0 : i32
      %dma_start3A_291 = tpu.memref_slice %arg4[%add3A_284, %dma_start3A_290] : memref<204800x128xf32, #tpu.memory_space<hbm>> -> memref<128x128xf32, #tpu.memory_space<hbm>>
      %dma_start3A_292 = arith.constant 0 : i32
      %dma_start3A_293 = tpu.memref_slice %arg4[%add3A_284, %dma_start3A_292] : memref<204800x128xf32, #tpu.memory_space<hbm>> -> memref<128x128xf32, #tpu.memory_space<hbm>>
      %dma_start3A_294 = arith.constant 0 : i32
      %dma_start3A_295 = arith.constant 0 : i32
      %dma_start3A_296 = tpu.memref_slice %arg6[%dma_start3A_285, %dma_start3A_294, %dma_start3A_295] : memref<5x128x128xf32, #tpu.memory_space<vmem>> -> memref<1x128x128xf32, #tpu.memory_space<vmem>>
      %dma_start3A_297 = tpu.memref_squeeze %dma_start3A_296 : memref<1x128x128xf32, #tpu.memory_space<vmem>> -> memref<128x128xf32, #tpu.memory_space<vmem>>
      tpu.enqueue_dma source(%dma_start3A_297 : memref<128x128xf32, #tpu.memory_space<vmem>>) target(%dma_start3A_293 : memref<128x128xf32, #tpu.memory_space<hbm>>) target_semaphore(%arg16 : memref<!tpu.dma_semaphore, #tpu.memory_space<semaphore_mem>>)
      %add3A_298 = arith.constant 3 : i32
      %add3A_299 = arith.addi %add3A_270, %add3A_298 : i32
      %lt3A_300 = arith.constant 50 : i32
      %lt3A_301 = arith.cmpi slt, %add3A_299, %lt3A_300 : i32
      %convert_element_type3A_302 = arith.extui %lt3A_301 : i1 to i32
      %cond3A_303 = arith.constant 0 : i32
      %cond3A_304 = arith.cmpi ne, %convert_element_type3A_302, %cond3A_303 : i32
      scf.if %cond3A_304 {
        %ge3A = arith.constant 2 : i32
        %ge3A_305 = arith.cmpi sge, %add3A_270, %ge3A : i32
        %convert_element_type3A_306 = arith.extui %ge3A_305 : i1 to i32
        %cond3A_307 = arith.constant 0 : i32
        %cond3A_308 = arith.cmpi ne, %convert_element_type3A_306, %cond3A_307 : i32
        scf.if %cond3A_308 {
          %add3A_320 = arith.constant 0 : i32
          %add3A_321 = arith.addi %mul3A_2, %add3A_320 : i32
          %dma_wait3A_322 = arith.constant 2 : i32
          %dma_wait3A_323 = arith.constant 0 : i32
          %dma_wait3A_324 = arith.constant 0 : i32
          %dma_wait3A_325 = tpu.memref_slice %arg6[%dma_wait3A_322, %dma_wait3A_323, %dma_wait3A_324] : memref<5x128x128xf32, #tpu.memory_space<vmem>> -> memref<1x128x128xf32, #tpu.memory_space<vmem>>
          %dma_wait3A_326 = tpu.memref_squeeze %dma_wait3A_325 : memref<1x128x128xf32, #tpu.memory_space<vmem>> -> memref<128x128xf32, #tpu.memory_space<vmem>>
          %dma_wait3A_327 = arith.constant 0 : i32
          %dma_wait3A_328 = tpu.memref_slice %arg4[%add3A_321, %dma_wait3A_327] : memref<204800x128xf32, #tpu.memory_space<hbm>> -> memref<128x128xf32, #tpu.memory_space<hbm>>
          %dma_wait3A_329 = arith.constant 0 : i32
          %dma_wait3A_330 = tpu.memref_slice %arg4[%add3A_321, %dma_wait3A_329] : memref<204800x128xf32, #tpu.memory_space<hbm>> -> memref<128x128xf32, #tpu.memory_space<hbm>>
          %dma_wait3A_331 = arith.constant 0 : i32
          %dma_wait3A_332 = arith.constant 0 : i32
          %dma_wait3A_333 = tpu.memref_slice %arg6[%dma_wait3A_322, %dma_wait3A_331, %dma_wait3A_332] : memref<5x128x128xf32, #tpu.memory_space<vmem>> -> memref<1x128x128xf32, #tpu.memory_space<vmem>>
          %dma_wait3A_334 = tpu.memref_squeeze %dma_wait3A_333 : memref<1x128x128xf32, #tpu.memory_space<vmem>> -> memref<128x128xf32, #tpu.memory_space<vmem>>
          tpu.wait_dma2 semaphore(%arg14 : memref<!tpu.dma_semaphore, #tpu.memory_space<semaphore_mem>>) src(%dma_wait3A_334 : memref<128x128xf32, #tpu.memory_space<vmem>>) dst(%dma_wait3A_330 : memref<128x128xf32, #tpu.memory_space<hbm>>)
        } else {
        }
        %dma_start3A_309 = arith.constant 2 : i32
        %dma_start3A_310 = arith.constant 0 : i32
        %dma_start3A_311 = arith.constant 0 : i32
        %dma_start3A_312 = tpu.memref_slice %arg6[%dma_start3A_309, %dma_start3A_310, %dma_start3A_311] : memref<5x128x128xf32, #tpu.memory_space<vmem>> -> memref<1x128x128xf32, #tpu.memory_space<vmem>>
        %dma_start3A_313 = tpu.memref_squeeze %dma_start3A_312 : memref<1x128x128xf32, #tpu.memory_space<vmem>> -> memref<128x128xf32, #tpu.memory_space<vmem>>
        %dma_start3A_314 = arith.constant 0 : i32
        %dma_start3A_315 = tpu.memref_slice %arg5[%add3A_299, %dma_start3A_314] : memref<50x128xi32, #tpu.memory_space<vmem>> -> memref<1x128xi32, #tpu.memory_space<vmem>>
        %dma_start3A_316 = tpu.memref_squeeze %dma_start3A_315 : memref<1x128xi32, #tpu.memory_space<vmem>> -> memref<128xi32, #tpu.memory_space<vmem>>
        %dma_start3A_317 = arith.constant 0 : i32
        %dma_start3A_318 = arith.constant 0 : i32
        %dma_start3A_319 = tpu.memref_slice %arg3[%dma_start3A_317, %dma_start3A_318] : memref<100000x128xf32, #tpu.memory_space<hbm>> -> memref<100000x128xf32, #tpu.memory_space<hbm>>
        tpu.enqueue_indirect_dma source(%dma_start3A_319 : memref<100000x128xf32, #tpu.memory_space<hbm>>) target(%dma_start3A_313 : memref<128x128xf32, #tpu.memory_space<vmem>>) offsets(%dma_start3A_316 : memref<128xi32, #tpu.memory_space<vmem>>) semaphore(%arg9 : memref<!tpu.dma_semaphore, #tpu.memory_space<semaphore_mem>>)
      } else {
      }
    }
    %scan3A_42 = arith.constant 10 : i32
    %add3A_43 = arith.constant 0 : i32
    %add3A_44 = arith.addi %mul3A_2, %add3A_43 : i32
    %dma_wait3A = arith.constant 0 : i32
    %dma_wait3A_45 = arith.constant 0 : i32
    %dma_wait3A_46 = arith.constant 0 : i32
    %dma_wait3A_47 = tpu.memref_slice %arg6[%dma_wait3A, %dma_wait3A_45, %dma_wait3A_46] : memref<5x128x128xf32, #tpu.memory_space<vmem>> -> memref<1x128x128xf32, #tpu.memory_space<vmem>>
    %dma_wait3A_48 = tpu.memref_squeeze %dma_wait3A_47 : memref<1x128x128xf32, #tpu.memory_space<vmem>> -> memref<128x128xf32, #tpu.memory_space<vmem>>
    %dma_wait3A_49 = arith.constant 0 : i32
    %dma_wait3A_50 = tpu.memref_slice %arg4[%add3A_44, %dma_wait3A_49] : memref<204800x128xf32, #tpu.memory_space<hbm>> -> memref<128x128xf32, #tpu.memory_space<hbm>>
    %dma_wait3A_51 = arith.constant 0 : i32
    %dma_wait3A_52 = tpu.memref_slice %arg4[%add3A_44, %dma_wait3A_51] : memref<204800x128xf32, #tpu.memory_space<hbm>> -> memref<128x128xf32, #tpu.memory_space<hbm>>
    %dma_wait3A_53 = arith.constant 0 : i32
    %dma_wait3A_54 = arith.constant 0 : i32
    %dma_wait3A_55 = tpu.memref_slice %arg6[%dma_wait3A, %dma_wait3A_53, %dma_wait3A_54] : memref<5x128x128xf32, #tpu.memory_space<vmem>> -> memref<1x128x128xf32, #tpu.memory_space<vmem>>
    %dma_wait3A_56 = tpu.memref_squeeze %dma_wait3A_55 : memref<1x128x128xf32, #tpu.memory_space<vmem>> -> memref<128x128xf32, #tpu.memory_space<vmem>>
    tpu.wait_dma2 semaphore(%arg12 : memref<!tpu.dma_semaphore, #tpu.memory_space<semaphore_mem>>) src(%dma_wait3A_56 : memref<128x128xf32, #tpu.memory_space<vmem>>) dst(%dma_wait3A_52 : memref<128x128xf32, #tpu.memory_space<hbm>>)
    %add3A_57 = arith.constant 0 : i32
    %add3A_58 = arith.addi %mul3A_2, %add3A_57 : i32
    %dma_wait3A_59 = arith.constant 1 : i32
    %dma_wait3A_60 = arith.constant 0 : i32
    %dma_wait3A_61 = arith.constant 0 : i32
    %dma_wait3A_62 = tpu.memref_slice %arg6[%dma_wait3A_59, %dma_wait3A_60, %dma_wait3A_61] : memref<5x128x128xf32, #tpu.memory_space<vmem>> -> memref<1x128x128xf32, #tpu.memory_space<vmem>>
    %dma_wait3A_63 = tpu.memref_squeeze %dma_wait3A_62 : memref<1x128x128xf32, #tpu.memory_space<vmem>> -> memref<128x128xf32, #tpu.memory_space<vmem>>
    %dma_wait3A_64 = arith.constant 0 : i32
    %dma_wait3A_65 = tpu.memref_slice %arg4[%add3A_58, %dma_wait3A_64] : memref<204800x128xf32, #tpu.memory_space<hbm>> -> memref<128x128xf32, #tpu.memory_space<hbm>>
    %dma_wait3A_66 = arith.constant 0 : i32
    %dma_wait3A_67 = tpu.memref_slice %arg4[%add3A_58, %dma_wait3A_66] : memref<204800x128xf32, #tpu.memory_space<hbm>> -> memref<128x128xf32, #tpu.memory_space<hbm>>
    %dma_wait3A_68 = arith.constant 0 : i32
    %dma_wait3A_69 = arith.constant 0 : i32
    %dma_wait3A_70 = tpu.memref_slice %arg6[%dma_wait3A_59, %dma_wait3A_68, %dma_wait3A_69] : memref<5x128x128xf32, #tpu.memory_space<vmem>> -> memref<1x128x128xf32, #tpu.memory_space<vmem>>
    %dma_wait3A_71 = tpu.memref_squeeze %dma_wait3A_70 : memref<1x128x128xf32, #tpu.memory_space<vmem>> -> memref<128x128xf32, #tpu.memory_space<vmem>>
    tpu.wait_dma2 semaphore(%arg13 : memref<!tpu.dma_semaphore, #tpu.memory_space<semaphore_mem>>) src(%dma_wait3A_71 : memref<128x128xf32, #tpu.memory_space<vmem>>) dst(%dma_wait3A_67 : memref<128x128xf32, #tpu.memory_space<hbm>>)
    %add3A_72 = arith.constant 0 : i32
    %add3A_73 = arith.addi %mul3A_2, %add3A_72 : i32
    %dma_wait3A_74 = arith.constant 2 : i32
    %dma_wait3A_75 = arith.constant 0 : i32
    %dma_wait3A_76 = arith.constant 0 : i32
    %dma_wait3A_77 = tpu.memref_slice %arg6[%dma_wait3A_74, %dma_wait3A_75, %dma_wait3A_76] : memref<5x128x128xf32, #tpu.memory_space<vmem>> -> memref<1x128x128xf32, #tpu.memory_space<vmem>>
    %dma_wait3A_78 = tpu.memref_squeeze %dma_wait3A_77 : memref<1x128x128xf32, #tpu.memory_space<vmem>> -> memref<128x128xf32, #tpu.memory_space<vmem>>
    %dma_wait3A_79 = arith.constant 0 : i32
    %dma_wait3A_80 = tpu.memref_slice %arg4[%add3A_73, %dma_wait3A_79] : memref<204800x128xf32, #tpu.memory_space<hbm>> -> memref<128x128xf32, #tpu.memory_space<hbm>>
    %dma_wait3A_81 = arith.constant 0 : i32
    %dma_wait3A_82 = tpu.memref_slice %arg4[%add3A_73, %dma_wait3A_81] : memref<204800x128xf32, #tpu.memory_space<hbm>> -> memref<128x128xf32, #tpu.memory_space<hbm>>
    %dma_wait3A_83 = arith.constant 0 : i32
    %dma_wait3A_84 = arith.constant 0 : i32
    %dma_wait3A_85 = tpu.memref_slice %arg6[%dma_wait3A_74, %dma_wait3A_83, %dma_wait3A_84] : memref<5x128x128xf32, #tpu.memory_space<vmem>> -> memref<1x128x128xf32, #tpu.memory_space<vmem>>
    %dma_wait3A_86 = tpu.memref_squeeze %dma_wait3A_85 : memref<1x128x128xf32, #tpu.memory_space<vmem>> -> memref<128x128xf32, #tpu.memory_space<vmem>>
    tpu.wait_dma2 semaphore(%arg14 : memref<!tpu.dma_semaphore, #tpu.memory_space<semaphore_mem>>) src(%dma_wait3A_86 : memref<128x128xf32, #tpu.memory_space<vmem>>) dst(%dma_wait3A_82 : memref<128x128xf32, #tpu.memory_space<hbm>>)
    %add3A_87 = arith.constant 0 : i32
    %add3A_88 = arith.addi %mul3A_2, %add3A_87 : i32
    %dma_wait3A_89 = arith.constant 3 : i32
    %dma_wait3A_90 = arith.constant 0 : i32
    %dma_wait3A_91 = arith.constant 0 : i32
    %dma_wait3A_92 = tpu.memref_slice %arg6[%dma_wait3A_89, %dma_wait3A_90, %dma_wait3A_91] : memref<5x128x128xf32, #tpu.memory_space<vmem>> -> memref<1x128x128xf32, #tpu.memory_space<vmem>>
    %dma_wait3A_93 = tpu.memref_squeeze %dma_wait3A_92 : memref<1x128x128xf32, #tpu.memory_space<vmem>> -> memref<128x128xf32, #tpu.memory_space<vmem>>
    %dma_wait3A_94 = arith.constant 0 : i32
    %dma_wait3A_95 = tpu.memref_slice %arg4[%add3A_88, %dma_wait3A_94] : memref<204800x128xf32, #tpu.memory_space<hbm>> -> memref<128x128xf32, #tpu.memory_space<hbm>>
    %dma_wait3A_96 = arith.constant 0 : i32
    %dma_wait3A_97 = tpu.memref_slice %arg4[%add3A_88, %dma_wait3A_96] : memref<204800x128xf32, #tpu.memory_space<hbm>> -> memref<128x128xf32, #tpu.memory_space<hbm>>
    %dma_wait3A_98 = arith.constant 0 : i32
    %dma_wait3A_99 = arith.constant 0 : i32
    %dma_wait3A_100 = tpu.memref_slice %arg6[%dma_wait3A_89, %dma_wait3A_98, %dma_wait3A_99] : memref<5x128x128xf32, #tpu.memory_space<vmem>> -> memref<1x128x128xf32, #tpu.memory_space<vmem>>
    %dma_wait3A_101 = tpu.memref_squeeze %dma_wait3A_100 : memref<1x128x128xf32, #tpu.memory_space<vmem>> -> memref<128x128xf32, #tpu.memory_space<vmem>>
    tpu.wait_dma2 semaphore(%arg15 : memref<!tpu.dma_semaphore, #tpu.memory_space<semaphore_mem>>) src(%dma_wait3A_101 : memref<128x128xf32, #tpu.memory_space<vmem>>) dst(%dma_wait3A_97 : memref<128x128xf32, #tpu.memory_space<hbm>>)
    %add3A_102 = arith.constant 0 : i32
    %add3A_103 = arith.addi %mul3A_2, %add3A_102 : i32
    %dma_wait3A_104 = arith.constant 4 : i32
    %dma_wait3A_105 = arith.constant 0 : i32
    %dma_wait3A_106 = arith.constant 0 : i32
    %dma_wait3A_107 = tpu.memref_slice %arg6[%dma_wait3A_104, %dma_wait3A_105, %dma_wait3A_106] : memref<5x128x128xf32, #tpu.memory_space<vmem>> -> memref<1x128x128xf32, #tpu.memory_space<vmem>>
    %dma_wait3A_108 = tpu.memref_squeeze %dma_wait3A_107 : memref<1x128x128xf32, #tpu.memory_space<vmem>> -> memref<128x128xf32, #tpu.memory_space<vmem>>
    %dma_wait3A_109 = arith.constant 0 : i32
    %dma_wait3A_110 = tpu.memref_slice %arg4[%add3A_103, %dma_wait3A_109] : memref<204800x128xf32, #tpu.memory_space<hbm>> -> memref<128x128xf32, #tpu.memory_space<hbm>>
    %dma_wait3A_111 = arith.constant 0 : i32
    %dma_wait3A_112 = tpu.memref_slice %arg4[%add3A_103, %dma_wait3A_111] : memref<204800x128xf32, #tpu.memory_space<hbm>> -> memref<128x128xf32, #tpu.memory_space<hbm>>
    %dma_wait3A_113 = arith.constant 0 : i32
    %dma_wait3A_114 = arith.constant 0 : i32
    %dma_wait3A_115 = tpu.memref_slice %arg6[%dma_wait3A_104, %dma_wait3A_113, %dma_wait3A_114] : memref<5x128x128xf32, #tpu.memory_space<vmem>> -> memref<1x128x128xf32, #tpu.memory_space<vmem>>
    %dma_wait3A_116 = tpu.memref_squeeze %dma_wait3A_115 : memref<1x128x128xf32, #tpu.memory_space<vmem>> -> memref<128x128xf32, #tpu.memory_space<vmem>>
    tpu.wait_dma2 semaphore(%arg16 : memref<!tpu.dma_semaphore, #tpu.memory_space<semaphore_mem>>) src(%dma_wait3A_116 : memref<128x128xf32, #tpu.memory_space<vmem>>) dst(%dma_wait3A_112 : memref<128x128xf32, #tpu.memory_space<hbm>>)
    return
  }
}

</mosaic_0001>

<sc_bundles>
// kernel: kernel.3.cloned.1.call-start
scs
__scs_entry_jumppad:
0x0: {  	(pc) =	sbr.rel $0x88, $3  }
0x1: {  	(tag) =	ssettag $0x0;
	lr =	simm.s32 $0x1  }
0x2: {  	[smem:$0x3F9F] =	sst lr;
	_ =	strace $0xD0000000  }
0x3: {  	_ = 	snop  }
0x4: {  	_ = 	snop  }
0x5: {  	_ = 	snop  }
0x6: {  	_ = 	snop  }
0x7: {  	_ = 	snop  }
__scs_overlays_trampoline_lowered:
0x8: {  	[smem:$0x3FAE] =	sst s0  }
0x9: {  	[smem:$0x3FAF] =	sst s1  }
0xa: {  	[smem:$0x3FB0] =	sst s2  }
0xb: {  	[smem:$0x3FB1] =	sst s3  }
0xc: {  	[smem:$0x3FB2] =	sst s4  }
0xd: {  	[smem:$0x3FB3] =	sst s5  }
0xe: {  	[smem:$0x3FB4] =	sst s6  }
0xf: {  	[smem:$0x3FB5] =	sst s7  }
0x10: {  	[smem:$0x3FB6] =	sst s8  }
0x11: {  	[smem:$0x3FB7] =	sst s9;
	s0 =	simm.s32 @!p0 $0x0  }
0x12: {  	s1 =	sld [smem:$0x3F9D];
	s0 =	simm.s32 @p0 $0x1  }
0x13: {  	[smem:$0x3FB8] =	sst s0;
	s0 =	simm.s32 @!p1 $0x0  }
0x14: {  	s2 =	sld [smem:$0x3F9C];
	s0 =	simm.s32 @p1 $0x1  }
0x15: {  	[smem:$0x3FB9] =	sst s0;
	s0 =	simm.s32 @!p2 $0x0  }
0x16: {  	s3 =	sld [smem:$0x3FDB];
	s0 =	simm.s32 @p2 $0x1  }
0x17: {  	s4 =	simm.s32 $0x1BF5;
	[smem:$0x3FBB] =	sst s0  }
0x18: {  	s0 =	sld [smem:$0x3F9E];
	_ =	swait.ge [sflag:s4], $0x0  }
0x19: {  	s7 =	sld [smem:$0x3F9F]  }
0x1a: {  	s8 =	sadd.s32 $0xFFFFE003, lr  }
0x1b: {  	s9 =	sadd.s32 $0xFFFFFEF7, lr;
	s5 =	simm.s32 $0xFFFFFFFF;
	p2 =	slt.u32 s8, $0xFFFFF086  }
0x1c: {  	p1 =	slt.u32 s9, $0xF7A;
	s5 =	simm.s32 @!p2 $0x0  }
0x1d: {  	s5 =	simm.s32 @p1 $0x1;
	p0 =	seq.s32 s7, s2  }
0x1e: {  	s7 =	smul.u32 @!p0 $0xF7A, s2;
	p2 =	seq.s32 @!p0 s5, $0x0  }
0x1f: {  	s9 =	smul.u32 $0xF7A, s1;
	s8 =	simm.s32 @!p0 $0x1BF5;
	p2 =	por !p2, p0  }
0x20: {  	[sflag:s8] =	ssyncset.s32 @!p0 $0xFFFFF086;
	s6 =	sadd.s32 @!p0 s3, s7;
	s7 =	simm.s32 @!p0 $0x108  }
0x21: {  	s3 =	sadd.s32 s3, s9;
	s6 =	sadd.s32 @!p0 $0x88, s6;
	s7 =	simm.s32 @p2 $0x1082  }
0x22: {  	[simem:s7], [sflag:s8] =	dma.local @!p0 [hbm:s6], $0xF7A  }
0x23: {  	s9 =	sor.u32 $0xD0000000, s2;
	s6 =	simm.s32 $0x108;
	_ =	swait.ge @!p0 [sflag:s8], $0x0  }
0x24: {  	s3 =	sadd.s32 $0x88, s3;
	s6 =	simm.s32 @!p1 $0x1082;
	[sflag:s4] =	ssyncset.s32 $0xFFFFF086  }
0x25: {  	[simem:s6], [sflag:s4] =	dma.local [hbm:s3], $0xF7A  }
0x26: {  	[smem:$0x3F9F] =	sst s1;
	(tag) =	ssettag s2;
	_ =	strace s9  }
0x27: {  	s1 =	sld [smem:$0x3FAF]  }
0x28: {  	s2 =	sld [smem:$0x3FB0]  }
0x29: {  	s4 =	sld [smem:$0x3FB2]  }
0x2a: {  	p0 =	seq.s32 s5, $0x0;
	s5 =	sld [smem:$0x3FB3]  }
0x2b: {  	s6 =	sld [smem:$0x3FB4]  }
0x2c: {  	s7 =	sld [smem:$0x3FB5]  }
0x2d: {  	s3 =	simm.s32 $0x108;
	s8 =	sld [smem:$0x3FB6]  }
0x2e: {  	s3 =	simm.s32 @!p0 $0x1082;
	s9 =	sld [smem:$0x3FB7]  }
0x2f: {  	lr =	sadd.s32 s0, s3;
	s0 =	sld [smem:$0x3FAE]  }
0x30: {  	s3 =	sld [smem:$0x3FB1]  }
0x31: {  	[smem:$0x3FBA] =	sst s10  }
0x32: {  	s10 =	sld [smem:$0x3FB8];
	_ =	sdelay $0x3  }
0x33: {  	p0 =	seq.s32 s10, $0x1;
	s10 =	sld [smem:$0x3FBA];
	_ =	sdelay $0x3  }
0x34: {  	[smem:$0x3FBA] =	sst s10  }
0x35: {  	s10 =	sld [smem:$0x3FB9];
	_ =	sdelay $0x3  }
0x36: {  	p1 =	seq.s32 s10, $0x1;
	s10 =	sld [smem:$0x3FBA];
	_ =	sdelay $0x3  }
0x37: {  	[smem:$0x3FBA] =	sst s10  }
0x38: {  	s10 =	sld [smem:$0x3FBB]  }
0x39: {  	_ = 	snop;
	(pc) =	sbr.ind lr, $3  }
0x3a: {  	_ = 	snop  }
0x3b: {  	_ = 	snop  }
0x3c: {  	p2 =	seq.s32 s10, $0x1;
	s10 =	sld [smem:$0x3FBA]  }
0x3d: {  	_ =	shalt  }
0x3e: {  	_ =	shalt  }
0x3f: {  	_ =	shalt  }
0x40: {  	_ =	shalt  }
0x41: {  	_ =	shalt  }
0x42: {  	_ =	shalt  }
0x43: {  	_ =	shalt  }
0x44: {  	_ =	shalt  }
0x45: {  	_ =	shalt  }
0x46: {  	_ =	shalt  }
0x47: {  	_ =	shalt  }
0x48: {  	_ =	shalt  }
0x49: {  	_ =	shalt  }
0x4a: {  	_ =	shalt  }
0x4b: {  	_ =	shalt  }
0x4c: {  	_ =	shalt  }
0x4d: {  	_ =	shalt  }
0x4e: {  	_ =	shalt  }
0x4f: {  	_ =	shalt  }
0x50: {  	_ =	shalt  }
0x51: {  	_ =	shalt  }
0x52: {  	_ =	shalt  }
0x53: {  	_ =	shalt  }
0x54: {  	_ =	shalt  }
0x55: {  	_ =	shalt  }
0x56: {  	_ =	shalt  }
0x57: {  	_ =	shalt  }
0x58: {  	_ =	shalt  }
0x59: {  	_ =	shalt  }
0x5a: {  	_ =	shalt  }
0x5b: {  	_ =	shalt  }
0x5c: {  	_ =	shalt  }
0x5d: {  	_ =	shalt  }
0x5e: {  	_ =	shalt  }
0x5f: {  	_ =	shalt  }
0x60: {  	_ =	shalt  }
0x61: {  	_ =	shalt  }
0x62: {  	_ =	shalt  }
0x63: {  	_ =	shalt  }
0x64: {  	_ =	shalt  }
0x65: {  	_ =	shalt  }
0x66: {  	_ =	shalt  }
0x67: {  	_ =	shalt  }
0x68: {  	_ =	shalt  }
0x69: {  	_ =	shalt  }
0x6a: {  	_ =	shalt  }
0x6b: {  	_ =	shalt  }
0x6c: {  	_ =	shalt  }
0x6d: {  	_ =	shalt  }
0x6e: {  	_ =	shalt  }
0x6f: {  	_ =	shalt  }
0x70: {  	_ =	shalt  }
0x71: {  	_ =	shalt  }
0x72: {  	_ =	shalt  }
0x73: {  	_ =	shalt  }
0x74: {  	_ =	shalt  }
0x75: {  	_ =	shalt  }
0x76: {  	_ =	shalt  }
0x77: {  	_ =	shalt  }
0x78: {  	_ =	shalt  }
0x79: {  	_ =	shalt  }
0x7a: {  	_ =	shalt  }
0x7b: {  	_ =	shalt  }
0x7c: {  	_ =	shalt  }
0x7d: {  	_ =	shalt  }
0x7e: {  	_ =	shalt  }
0x7f: {  	_ =	shalt  }
0x80: {  	_ =	shalt  }
0x81: {  	_ =	shalt  }
0x82: {  	_ =	shalt  }
0x83: {  	_ =	shalt  }
0x84: {  	_ =	shalt  }
0x85: {  	_ =	shalt  }
0x86: {  	_ =	shalt  }
0x87: {  	_ =	shalt  }
.Lfunc_end0:
.L_simem_size_0:
called_computation.1_lowered:
.L_overlay_start_0:
0x88: {  	s2 =	sld [smem:$0x3FD9]  }
0x89: {  	s3 =	sld [smem:$0x3FFE];
	_ =	sdelay $0x1  }
0x8a: {  	s1 =	srdreg.scid  }
0x8b: {  	s0 =	sand.u32 $0x1, s1  }
0x8c: {  	s17 =	sshll.u32 s0, $0xA;
	s2 =	sadd.s32 s3, s2  }
0x8d: {  	s2 =	sadd.s32 s2, s17  }
0x8e: {  	[smem:$0x3FC6] =	sst s2  }
0x8f: {  	_ = 	snop  }
0x90: {  	s2 =	sld [smem:$0x3FC8]  }
0x91: {  	s18 =	sld [smem:$0x3FD0];
	(tm) =	ssettm $0x1  }
0x92: {  	s4 =	sld [smem:$0x3FFB];
	_ =	sdelay $0x3  }
0x93: {  	_ =	strace s4  }
0x94: {  	s4 =	sld [smem:$0x3FFC];
	_ =	sdelay $0x3  }
0x95: {  	_ =	strace s4  }
0x96: {  	s4 =	sld [smem:$0x3FFD];
	_ =	sdelay $0x3  }
0x97: {  	_ =	strace s4  }
0x98: {  	_ =	strace $0x8FFFFFFF  }
0x99: {  	s19 =	sld [smem:$0x3FDB];
	_ =	sdelay $0x1  }
0x9a: {  	s5 =	simm.s32 $_scs_section_size  }
0x9b: {  	s6 =	simm.s32 $_size__tile_overlayer_lowered;
	s7 =	simm.s32 $_tile_overlayer_lowered  }
0x9c: {  	s22 =	simm.s32 $0x1BFF;
	s21 =	sshll.u32 s7, $0x1;
	s4 =	sadd.s32 s5, s19  }
0x9d: {  	s8 =	simm.s32 $0x0;
	s20 =	sshll.u32 s6, $0x1;
	s6 =	sadd.s32 s21, s4  }
0x9e: {  	[timem:s8], [sflag:s22] =	dma.local [hbm:s6], s20  }
0x9f: {  	_ =	swait.ge [sflag:s22], s20  }
0xa0: {  	s5 =	ssub.s32 $0x0, s20;
	[sflag:s22] =	ssyncset.done $0x0  }
0xa1: {  	[sflag:s22] =	ssyncadd.s32 s5;
	_ =	sdelay $0x1  }
0xa2: {  	s23 =	simm.s32 $0x1B8B  }
0xa3: {  	_ =	swait.ge [sflag:s23], $0x1  }
0xa4: {  	[sflag:s23] =	ssyncset.done $0x0  }
0xa5: {  	s25 =	simm.s32 $0x1B8E;
	s24 =	sld [smem:$0x3FFE];
	[sflag:s23] =	ssyncadd.s32 $0xFFFFFFFF  }
0xa6: {  	s26 =	simm.s32 $execute0_lowered;
	[smem:$0x3FD2] =	sst s25  }
0xa7: {  	s6 =	sshll.u32 s26, $0x1;
	_ =	strace $0x80000046;
	[dreg:$0x1] =	wrdreg $0xFFFFFFFF  }
0xa8: {  	s28 =	simm.s32 $_size_execute0_lowered;
	s4 =	sadd.s32 s4, s6;
	[dreg:$0x0] =	wrdreg $0x0  }
0xa9: {  	s6 =	sshll.u32 s28, $0x1;
	[dreg:$0x2] =	wrdreg s4  }
0xaa: {  	[dreg:$0x3] =	wrdreg s6  }
0xab: {  	[dreg:$0x4] =	wrdreg $0xC0  }
0xac: {  	_ =	task [dreg:s8], $0x5FFFF  }
0xad: {  	[dreg:$0x1] =	wrdreg $0xFFFFFFFF  }
0xae: {  	[dreg:$0x0] =	wrdreg $0x60  }
0xaf: {  	[dreg:$0x2] =	wrdreg s24  }
0xb0: {  	[dreg:$0x3] =	wrdreg s2  }
0xb1: {  	[dreg:$0x4] =	wrdreg s18  }
0xb2: {  	[dreg:$0x5] =	wrdreg $0x9  }
0xb3: {  	_ =	task.clear_ibuf [dreg:s8], $0x6FFFF;
	_ =	strace $0x90000046  }
0xb4: {  	s29 =	simm.s32 $0x9;
	_ =	strace $0x80000048  }
0xb5: {  	_ =	swait.ge [sflag:s29], $0x1  }
0xb6: {  	[sflag:s29] =	ssyncadd.s32 $0xFFFFFFFF  }
0xb7: {  	_ =	strace $0x90000048  }
0xb8: {  	_ =	sfence  }
0xb9: {  	s30 =	sld [smem:$0x0];
	_ =	sdelay $0x2  }
0xba: {  	s31 =	sshll.u32 s1, $0xD;
	s1 =	sshrl.u32 s1, $0x2  }
0xbb: {  	s3 =	sand.u32 $0x4000, s31;
	s1 =	sadd.s32 s1, s30  }
0xbc: {  	s0 =	sor.u32 s3, s0;
	s1 =	sshll.u32 s1, $0x11  }
0xbd: {  	s0 =	sor.u32 s1, s0  }
0xbe: {  	s0 =	sadd.s32 $0x8F2B, s0  }
0xbf: {  	[sflag:s0] =	ssyncadd.remote.s32 $0x1  }
0xc0: {  	_ =	sfence.sel $0xFFFF  }
0xc1: {  	[dreg:$0x0] =	wrdreg $0xFFFFFFFF;
	(pc) =	sbr.abs _section_cstart, $3  }
0xc2: {  	[dreg:$0x1] =	wrdreg $0xFFFFFFFF  }
0xc3: {  	_ =	task.clear_ibuf [dreg:s8], $0x2FFFF;
	_ =	strace $0x9FFFFFFF  }
0xc4: {  	(tm) =	ssettm $0x7FFFFFFF  }
0xc5: {  	_ =	shalt  }
tec
execute0_lowered:
.L_overlay_start_1:
0x0: {  	(tag) =	ssettag $0x1  }
0x1: {  	s1 =	rddreg [dreg:$0x0]  }
0x2: {  	s0 =	srdreg.scid;
	s2 =	rddreg [dreg:$0x1]  }
0x3: {  	s9 =	stileid.u32;
	s4 =	rddreg [dreg:$0x2];
	s11 =	simm.s32 $0xB  }
0x4: {  	s12 =	simm.s32 $0x80;
	s13 =	simm.s32 $0x1C00;
	s14 =	simm.s32 $0x5C00  }
0x5: {  	s16 =	simm.s32 $0x9C00;
	s17 =	simm.s32 $0x1;
	s6 =	smul.u32 $0x190000, s9  }
0x6: {  	s28 =	simm.s32 $0x9;
	s0 =	sand.u32 $0x1, s0;
	s19 =	smul.u32 $0x32000, s9  }
0x7: {  	s29 =	simm.s32 $0xA;
	s3 =	sshll.u32 s9, $0x1;
	s8 =	smul.u32 $0xC8000, s0  }
0x8: {  	s3 =	sor.u32 s0, s3;
	s7 =	ssub.s32 $0x2, s0;
	s0 =	smul.u32 $0x19000, s0  }
0x9: {  	s30 =	simm.s32 $0x0;
	s5 =	smul.u32 $0x380, s3;
	s3 =	simm.s32 $0x0  }
0xa: {  	s18 =	sshrl.u32 s7, $0x1;
	s21 =	sadd.s32 s19, s4;
	s19 =	simm.s32 $0x2  }
0xb: {  	[smem:$0x7FF] =	sst s3;
	s6 =	sadd.s32 s8, s6;
	s0 =	sadd.s32 s0, s21  }
0xc: {  	s21 =	simm.s32 $0x3;
	_ =	strace $0x80000047;
	s1 =	sadd.s32 s5, s1  }
0xd: {  	s5 =	ssub.s32 s7, s18;
	s20 =	sadd.s32 $0x10000, s6;
	[dreg:$0x6] =	wrdreg s0  }
0xe: {  	s23 =	sadd.s32 $0xC000, s6;
	s24 =	sadd.s32 $0x8000, s6;
	s25 =	sor.u32 $0x4000, s6  }
0xf: {  	s18 =	simm.s32 $0xDC00;
	s1 =	sadd.s32 $0x800, s1;
	s5 =	smax.u32 s5, $0x1  }
0x10: {  	s0 =	sshrl.u32 s23, $0x3;
	s23 =	simm.s32 $0x5;
	[dreg:$0x4] =	wrdreg s1  }
0x11: {  	[dreg:$0x5] =	wrdreg s5;
	s1 =	sshrl.u32 s20, $0x3;
	s0 =	sadd.s32 s0, s4  }
.Ltmp0:
0x12: {  	s5 =	sshrl.u32 s25, $0x3;
	s20 =	simm.s32 $0x11C00;
	(pc) =	sbr.rel .LBB2_1-.Ltmp0, $4  }
0x13: {  	s25 =	simm.s32 $0x7;
	s22 =	sadd.s32 s1, s4;
	[dreg:$0x8] =	wrdreg s0  }
0x14: {  	s1 =	sshrl.u32 s24, $0x3;
	s31 =	sadd.s32 s5, s4;
	[dreg:$0x7] =	wrdreg s22  }
0x15: {  	s24 =	simm.s32 $0x6;
	s26 =	sadd.s32 s1, s4;
	[dreg:$0xa] =	wrdreg s31  }
0x16: {  	s22 =	simm.s32 $0x4;
	[dreg:$0x9] =	wrdreg s26;
	s26 =	simm.s32 $0x8  }
.LBB2_4:
0x17: {  	_ =	swait.ge [sflag:s24], $0x4000  }
0x18: {  	[sflag:s24] =	ssyncset.done $0x0  }
0x19: {  	[sflag:s24] =	ssyncadd.s32 $0xFFFFC000  }
0x1a: {  	_ =	swait.ge [sflag:s25], $0x4000  }
0x1b: {  	[sflag:s25] =	ssyncset.done $0x0  }
0x1c: {  	[sflag:s25] =	ssyncadd.s32 $0xFFFFC000  }
0x1d: {  	_ =	swait.ge [sflag:s26], $0x4000  }
0x1e: {  	[sflag:s26] =	ssyncset.done $0x0  }
0x1f: {  	[sflag:s26] =	ssyncadd.s32 $0xFFFFC000  }
0x20: {  	_ =	swait.ge [sflag:s28], $0x4000  }
0x21: {  	[sflag:s28] =	ssyncset.done $0x0  }
0x22: {  	[sflag:s28] =	ssyncadd.s32 $0xFFFFC000  }
0x23: {  	_ =	swait.ge [sflag:s29], $0x4000  }
0x24: {  	s30 =	sadd.s32 $0x1, s30;
	s0 =	rddreg [dreg:$0x5]  }
0x25: {  	p0 =	sne.s32 s30, s0  }
.Ltmp1:
0x26: {  	_ = 	snop;
	(pc) =	sbr.rel @!p0 .LBB2_5-.Ltmp1, $3  }
0x27: {  	_ =	sdelay $0x1  }
0x28: {  	[sflag:s29] =	ssyncset.done $0x0  }
0x29: {  	[sflag:s29] =	ssyncadd.s32 $0xFFFFC000  }
.LBB2_1:
0x2a: {  	s0 =	rddreg [dreg:$0x4]  }
0x2b: {  	[tilespmem:s3], [sflag:$0xB] =	stream.linear.gather [hbm4b:s0+s3], $0x1900, $0x38;
	[tilespmem:$0x15C00] =	vst v63  }
0x2c: {  	_ =	swait.ge [sflag:s11], $0x1900  }
0x2d: {  	s31 =	rddreg [dreg:$0xa]  }
0x2e: {  	[sflag:s11] =	ssyncset.done $0x0;
	s9 =	rddreg [dreg:$0x9]  }
0x2f: {  	s8 =	rddreg [dreg:$0x8];
	[sflag:s11] =	ssyncadd.s32 $0xFFFFE700  }
0x30: {  	[tilespmem:s13], [sflag:$0x1] =	stream.indirect.gather [hbm4b:s2+s12], $0x80, s3, s12, $0xb8;
	[tilespmem:$0x15C00] =	vst v63  }
0x31: {  	s7 =	rddreg [dreg:$0x7]  }
0x32: {  	[tilespmem:s14], [sflag:$0x2] =	stream.indirect.gather [hbm4b:s2+s12], $0x80, s12, s12, $0xb8;
	[tilespmem:$0x15C00] =	vst v63  }
0x33: {  	s15 =	simm.s32 $0x100;
	s5 =	simm.s32 $0x0;
	s6 =	rddreg [dreg:$0x6]  }
0x34: {  	[tilespmem:s16], [sflag:$0x3] =	stream.indirect.gather [hbm4b:s2+s12], $0x80, s15, s12, $0xb8;
	[tilespmem:$0x15C00] =	vst v63  }
.LBB2_2:
0x35: {  	_ =	swait.ge [sflag:s17], $0x4000  }
0x36: {  	p0 =	seq.s32 s5, $0x0;
	[sflag:s17] =	ssyncset.done $0x0  }
0x37: {  	s15 =	simm.s32 @!p0 $0x9;
	[sflag:s17] =	ssyncadd.s32 $0xFFFFC000  }
0x38: {  	[hbm4b:s6+s3] =	stream.linear.scatter [tilespmem:s13], [sflag:$0x6], $0x4000, $0x38;
	[tilespmem:$0x15C00] =	vst v63  }
0x39: {  	_ =	swait.ge @!p0 [sflag:s15], $0x4000  }
0x3a: {  	s4 =	sshra.s32 s5, $0x2;
	[sflag:s15] =	ssyncset.done @!p0 $0x0  }
0x3b: {  	s1 =	sadd.s32 $0x180, s4;
	[sflag:s15] =	ssyncadd.s32 @!p0 $0xFFFFC000  }
0x3c: {  	[tilespmem:s18], [sflag:$0x4] =	stream.indirect.gather [hbm4b:s2+s12], $0x80, s1, s12, $0xb8;
	[tilespmem:$0x15C00] =	vst v63  }
0x3d: {  	_ =	swait.ge [sflag:s19], $0x4000  }
0x3e: {  	[sflag:s19] =	ssyncset.done $0x0  }
0x3f: {  	s15 =	simm.s32 @!p0 $0xA;
	[sflag:s19] =	ssyncadd.s32 $0xFFFFC000  }
0x40: {  	[hbm4b:s31+s3] =	stream.linear.scatter [tilespmem:s14], [sflag:$0x7], $0x4000, $0x38;
	[tilespmem:$0x15C00] =	vst v63  }
0x41: {  	_ =	swait.ge @!p0 [sflag:s15], $0x4000  }
0x42: {  	[sflag:s15] =	ssyncset.done @!p0 $0x0  }
0x43: {  	s10 =	sadd.s32 $0x200, s4;
	[sflag:s15] =	ssyncadd.s32 @!p0 $0xFFFFC000  }
0x44: {  	[tilespmem:s20], [sflag:$0x5] =	stream.indirect.gather [hbm4b:s2+s12], $0x80, s10, s12, $0xb8;
	[tilespmem:$0x15C00] =	vst v63  }
0x45: {  	_ =	swait.ge [sflag:s21], $0x4000  }
0x46: {  	p0 =	seq.s32 s5, $0x5A00;
	[sflag:s21] =	ssyncset.done $0x0  }
0x47: {  	s15 =	simm.s32 @!p0 $0x6;
	[sflag:s21] =	ssyncadd.s32 $0xFFFFC000  }
0x48: {  	[hbm4b:s9+s3] =	stream.linear.scatter [tilespmem:s16], [sflag:$0x8], $0x4000, $0x38;
	[tilespmem:$0x15C00] =	vst v63  }
0x49: {  	_ =	swait.ge @!p0 [sflag:s15], $0x4000  }
0x4a: {  	[sflag:s15] =	ssyncset.done @!p0 $0x0  }
0x4b: {  	[sflag:s15] =	ssyncadd.s32 @!p0 $0xFFFFC000;
	s15 =	sshra.s32 @!p0 s5, $0x2  }
0x4c: {  	s1 =	simm.s32 @!p0 $0x80;
	s10 =	simm.s32 @!p0 $0x1C00;
	s0 =	sadd.s32 @!p0 $0x280, s15  }
0x4d: {  	[tilespmem:s10], [sflag:$0x1] =	stream.indirect.gather @!p0 [hbm4b:s2+s1], $0x80, s0, s1, $0xb8;
	[tilespmem:$0x15C00] =	vst v63  }
0x4e: {  	_ =	swait.ge [sflag:s22], $0x4000  }
0x4f: {  	[sflag:s22] =	ssyncset.done $0x0  }
0x50: {  	s0 =	simm.s32 @!p0 $0x7;
	[sflag:s22] =	ssyncadd.s32 $0xFFFFC000  }
0x51: {  	[hbm4b:s8+s3] =	stream.linear.scatter [tilespmem:s18], [sflag:$0x9], $0x4000, $0x38;
	[tilespmem:$0x15C00] =	vst v63  }
0x52: {  	_ =	swait.ge @!p0 [sflag:s0], $0x4000  }
0x53: {  	[sflag:s0] =	ssyncset.done @!p0 $0x0  }
0x54: {  	s10 =	simm.s32 @!p0 $0x5C00;
	[sflag:s0] =	ssyncadd.s32 @!p0 $0xFFFFC000;
	s0 =	sadd.s32 @!p0 $0x300, s15  }
0x55: {  	[tilespmem:s10], [sflag:$0x2] =	stream.indirect.gather @!p0 [hbm4b:s2+s1], $0x80, s0, s1, $0xb8;
	[tilespmem:$0x15C00] =	vst v63  }
.Ltmp2:
0x56: {  	_ = 	snop;
	(pc) =	sbr.rel @p0 .LBB2_4-.Ltmp2, $4  }
0x57: {  	_ =	swait.ge [sflag:s23], $0x4000  }
0x58: {  	[sflag:s23] =	ssyncset.done $0x0  }
0x59: {  	[sflag:s23] =	ssyncadd.s32 $0xFFFFC000  }
0x5a: {  	[hbm4b:s7+s3] =	stream.linear.scatter [tilespmem:s20], [sflag:$0xA], $0x4000, $0x38;
	[tilespmem:$0x15C00] =	vst v63  }
.Ltmp3:
0x5b: {  	_ =	swait.ge [sflag:s26], $0x4000;
	(pc) =	sbr.rel .LBB2_2-.Ltmp3, $4  }
0x5c: {  	s0 =	sadd.s32 $0x380, s4;
	s5 =	sadd.s32 $0xA00, s5;
	s6 =	sadd.s32 $0x2800, s6  }
0x5d: {  	s7 =	sadd.s32 $0x2800, s7;
	s8 =	sadd.s32 $0x2800, s8;
	[sflag:s26] =	ssyncset.done $0x0  }
0x5e: {  	s9 =	sadd.s32 $0x2800, s9;
	s31 =	sadd.s32 $0x2800, s31;
	[sflag:s26] =	ssyncadd.s32 $0xFFFFC000  }
0x5f: {  	[tilespmem:s16], [sflag:$0x3] =	stream.indirect.gather [hbm4b:s2+s12], $0x80, s0, s12, $0xb8;
	[tilespmem:$0x15C00] =	vst v63  }
.LBB2_5:
0x60: {  	_ =	sfence.sel $0x180000  }
0x61: {  	[bflag:$0x0] =	sbarrier.arrive $0xFFFF  }
0x62: {  	_ =	strace $0x90000047  }
0x63: {  	s0 =	stileid.u32;
	[bflag:$0x2] =	sbarrier.arrive $0xFFFF  }
0x64: {  	p0 =	sne.s32 s0, $0x0;
	s0 =	rddreg [dreg:$0x3]  }
0x65: {  	s0 =	sadd.s32 @!p0 $0x100000, s0  }
0x66: {  	[sflag:s0] =	ssyncadd.tile.s32 @!p0 $0x1;
	_ =	shalt  }
.Lfunc_end2:
_tile_overlayer_lowered:
.L_overlay_start_2:
0x67: {  	(tag) =	ssettag $0x2  }
0x68: {  	s0 =	rddreg [dreg:$0x0];
	s2 =	stileid.u32  }
0x69: {  	s1 =	rddreg [dreg:$0x1];
	p0 =	sne.s32 s2, $0x0  }
0x6a: {  	s3 =	rddreg [dreg:$0x2];
	[bflag:$0x3] =	sbarrier.arrive $0xFFFF;
	s2 =	simm.s32 @!p0 $0x1C0B  }
0x6b: {  	[timem:s3], [sflag:s2] =	dma.local @!p0 [hbm:s0], s1  }
0x6c: {  	s0 =	simm.s32 @!p0 $0xB  }
0x6d: {  	_ =	swait.ge @!p0 [sflag:s0], s1  }
0x6e: {  	s1 =	ssub.s32 @!p0 $0x0, s1;
	[sflag:s0] =	ssyncset.done @!p0 $0x0  }
0x6f: {  	[sflag:s0] =	ssyncadd.s32 @!p0 s1  }
0x70: {  	[bflag:$0x3] =	sbarrier.arrive $0xFFFF  }
0x71: {  	_ =	shalt  }

// kernel: sparse-core-data-format-call.cloned.1.call-start
scs
called_computation_lowered:
.L_overlay_start_0:
0x0: {  	s2 =	sld [smem:$0x3FD9]  }
0x1: {  	s3 =	sld [smem:$0x3FFE];
	_ =	sdelay $0x1  }
0x2: {  	s1 =	srdreg.scid  }
0x3: {  	s0 =	sand.u32 $0x1, s1  }
0x4: {  	s18 =	sshll.u32 s0, $0xA;
	s2 =	sadd.s32 s3, s2  }
0x5: {  	s2 =	sadd.s32 s2, s18  }
0x6: {  	[smem:$0x3FC6] =	sst s2  }
0x7: {  	_ = 	snop  }
0x8: {  	s2 =	sld [smem:$0x3FD0];
	(tm) =	ssettm $0x1  }
0x9: {  	s19 =	sld [smem:$0x3FFB];
	_ =	sdelay $0x3  }
0xa: {  	_ =	strace s19  }
0xb: {  	s3 =	sld [smem:$0x3FFC];
	_ =	sdelay $0x3  }
0xc: {  	_ =	strace s3  }
0xd: {  	s3 =	sld [smem:$0x3FFD];
	_ =	sdelay $0x3  }
0xe: {  	_ =	strace s3  }
0xf: {  	_ =	strace $0x8FFFFFFF  }
0x10: {  	s20 =	sld [smem:$0x3FDB];
	_ =	sdelay $0x1  }
0x11: {  	s4 =	simm.s32 $_scs_section_size  }
0x12: {  	s5 =	simm.s32 $_size__tile_overlayer_lowered;
	s6 =	simm.s32 $_tile_overlayer_lowered  }
0x13: {  	s23 =	simm.s32 $0x1BFF;
	s22 =	sshll.u32 s6, $0x1;
	s3 =	sadd.s32 s4, s20  }
0x14: {  	s7 =	simm.s32 $0x0;
	s21 =	sshll.u32 s5, $0x1;
	s5 =	sadd.s32 s22, s3  }
0x15: {  	[timem:s7], [sflag:s23] =	dma.local [hbm:s5], s21  }
0x16: {  	_ =	swait.ge [sflag:s23], s21  }
0x17: {  	s4 =	ssub.s32 $0x0, s21;
	[sflag:s23] =	ssyncset.done $0x0  }
0x18: {  	[sflag:s23] =	ssyncadd.s32 s4;
	_ =	sdelay $0x1  }
0x19: {  	s24 =	simm.s32 $0x1B8B  }
0x1a: {  	_ =	swait.ge [sflag:s24], $0x1  }
0x1b: {  	[sflag:s24] =	ssyncset.done $0x0  }
0x1c: {  	s26 =	simm.s32 $0x1B8E;
	s25 =	sld [smem:$0x3FFE];
	[sflag:s24] =	ssyncadd.s32 $0xFFFFFFFF  }
0x1d: {  	s27 =	simm.s32 $execute0_lowered;
	[smem:$0x3FD2] =	sst s26  }
0x1e: {  	s5 =	sshll.u32 s27, $0x1;
	_ =	strace $0x80000049;
	[dreg:$0x1] =	wrdreg $0xFFFFFFFF  }
0x1f: {  	s28 =	simm.s32 $_size_execute0_lowered;
	s3 =	sadd.s32 s3, s5;
	[dreg:$0x0] =	wrdreg $0x0  }
0x20: {  	s5 =	sshll.u32 s28, $0x1;
	[dreg:$0x2] =	wrdreg s3  }
0x21: {  	[dreg:$0x3] =	wrdreg s5  }
0x22: {  	[dreg:$0x4] =	wrdreg $0xC0  }
0x23: {  	_ =	task [dreg:s7], $0x5FFFF  }
0x24: {  	[dreg:$0x1] =	wrdreg $0xFFFFFFFF  }
0x25: {  	[dreg:$0x0] =	wrdreg $0x60  }
0x26: {  	[dreg:$0x2] =	wrdreg s25  }
0x27: {  	[dreg:$0x3] =	wrdreg s2  }
0x28: {  	[dreg:$0x4] =	wrdreg $0x9  }
0x29: {  	_ =	task.clear_ibuf [dreg:s7], $0x5FFFF;
	_ =	strace $0x90000049  }
0x2a: {  	s29 =	simm.s32 $0x9;
	_ =	strace $0x8000004B  }
0x2b: {  	_ =	swait.ge [sflag:s29], $0x1  }
0x2c: {  	[sflag:s29] =	ssyncadd.s32 $0xFFFFFFFF  }
0x2d: {  	_ =	strace $0x9000004B  }
0x2e: {  	_ =	sfence  }
0x2f: {  	s30 =	sld [smem:$0x0];
	_ =	sdelay $0x2  }
0x30: {  	s31 =	sshll.u32 s1, $0xD;
	s1 =	sshrl.u32 s1, $0x2  }
0x31: {  	s3 =	sand.u32 $0x4000, s31;
	s1 =	sadd.s32 s1, s30  }
0x32: {  	s0 =	sor.u32 s3, s0;
	s1 =	sshll.u32 s1, $0x11  }
0x33: {  	s0 =	sor.u32 s1, s0  }
0x34: {  	s0 =	sadd.s32 $0x8F2B, s0  }
0x35: {  	[sflag:s0] =	ssyncadd.remote.s32 $0x1  }
0x36: {  	_ =	sfence.sel $0xFFFF  }
0x37: {  	[dreg:$0x0] =	wrdreg $0xFFFFFFFF;
	(pc) =	sbr.abs _section_cstart, $3  }
0x38: {  	[dreg:$0x1] =	wrdreg $0xFFFFFFFF  }
0x39: {  	_ =	task.clear_ibuf [dreg:s7], $0x2FFFF;
	_ =	strace $0x9FFFFFFF  }
0x3a: {  	(tm) =	ssettm $0x7FFFFFFF  }
0x3b: {  	_ =	shalt  }
tec
execute0_lowered:
.L_overlay_start_1:
0x0: {  	(tag) =	ssettag $0x1  }
0x1: {  	s0 =	srdreg.scid  }
0x2: {  	s1 =	sshll.u32 s0, $0x4  }
0x3: {  	s0 =	stileid.u32;
	s1 =	sand.u32 $0x10, s1  }
0x4: {  	s1 =	sor.u32 s0, s1  }
0x5: {  	s6 =	rddreg [dreg:$0x0];
	s4 =	simm.s32 $0x1;
	s2 =	sshll.u32 s1, $0x6  }
0x6: {  	s7 =	simm.s32 $0x2;
	s13 =	simm.s32 $0x0;
	s1 =	ssub.s32 $0x1000, s2  }
0x7: {  	s8 =	simm.s32 $0x2000;
	s9 =	simm.s32 $0x80000;
	s3 =	sand.u32 $0x7C0, s1  }
0x8: {  	s14 =	simm.s32 $0x0;
	s5 =	sshrl.u32 s1, $0xB;
	p0 =	sne.s32 s3, $0x0  }
.Ltmp0:
0x9: {  	s1 =	rddreg [dreg:$0x2];
	s4 =	simm.s32 @!p0 $0x0;
	(pc) =	sbr.rel .LBB1_1-.Ltmp0, $4  }
0xa: {  	s10 =	simm.s32 $0x0;
	s3 =	rddreg [dreg:$0x1];
	s5 =	sadd.s32 s4, s5  }
0xb: {  	_ =	strace $0x8000004A;
	s4 =	simm.s32 $0x1;
	s5 =	smul.u32 $0x19, s5  }
0xc: {  	s12 =	simm.s32 $0x0;
	s6 =	sadd.s32 $0x800, s6;
	[sflag:s4] =	ssyncpa.u1 $0x0  }
0xd: {  	s11 =	smov.u32 s2;
	[sflag:s7] =	ssyncpa.u1 $0x0;
	s7 =	sadd.s32 $0x1, s5  }
.LBB1_7:
0xe: {  	s15 =	sadd.s32 $0x2, s10  }
0xf: {  	s13 =	sadd.s32 $0x800, s11;
	s17 =	smov.u32 s11;
	p1 =	sgt.s32 s15, $0x31  }
0x10: {  	s17 =	smov.u32 @p1 s13  }
0x11: {  	s15 =	simm.s32 @p1 $0x0;
	p1 =	sgt.s32 s17, $0xFFF  }
0x12: {  	s17 =	smov.u32 @p1 s2;
	p1 =	sne.s32 s12, s7  }
.Ltmp1:
0x13: {  	p0 =	slt.u32 s12, $0x2;
	(pc) =	sbr.rel @!p1 .LBB1_8-.Ltmp1, $4  }
0x14: {  	s16 =	simm.s32 @!p0 $0x2  }
0x15: {  	s14 =	smov.u32 s11;
	_ =	swait.ge @!p0 [sflag:s16], $0x4000  }
0x16: {  	s13 =	smov.u32 s10;
	[sflag:s16] =	ssyncset.done @!p0 $0x0;
	s10 =	smov.u32 s15  }
0x17: {  	s12 =	sadd.s32 $0x1, s12;
	[sflag:s16] =	ssyncadd.s32 @!p0 $0xFFFFC000;
	s11 =	smov.u32 s17  }
.LBB1_1:
0x18: {  	p0 =	sge.u32 s12, s5  }
0x19: {  	s15 =	sand.u32 @!p0 $0x1FFFFFF, s10  }
0x1a: {  	s16 =	smulhi.u32 @!p0 $0x4924925, s15;
	_ =	sdelay $0x1  }
0x1b: {  	s16 =	smul.u32 @!p0 $0x38, s16  }
0x1c: {  	s17 =	sxor.u32 @!p0 $0xFFFFFFFF, s12;
	s18 =	smul.u32 @!p0 $0x380, s11  }
0x1d: {  	s31 =	sadd.s32 $0xFFFFFFFF, s12;
	s17 =	sshll.u32 @!p0 s17, $0xE;
	s15 =	ssub.s32 @!p0 s15, s16  }
0x1e: {  	s16 =	sand.u32 @!p0 $0x4000, s17;
	s17 =	sadd.s32 @!p0 s6, s18;
	s15 =	sshll.u32 @!p0 s15, $0x4  }
0x1f: {  	s18 =	simm.s32 @!p0 $0x1C00;
	s15 =	sadd.s32 @!p0 s15, s17;
	s17 =	simm.s32 @!p0 $0x100  }
0x20: {  	[tilespmem:s16], [sflag:$0x1] =	stream.strided.gather @!p0 [hbm4b:s15+s17], $0x4000, s18, s17, $0x38;
	[tilespmem:$0x10000] =	vst v63  }
0x21: {  	p0 =	sge.u32 s31, s5  }
.Ltmp2:
0x22: {  	_ = 	snop;
	(pc) =	sbr.rel @p0 .LBB1_7-.Ltmp2, $1  }
0x23: {  	_ =	sdelay $0x3  }
0x24: {  	_ =	swait.ge [sflag:s4], $0x4000;
	s15 =	sshll.u32 s12, $0xE  }
0x25: {  	[sflag:s4] =	ssyncset.done $0x0;
	s16 =	sand.u32 $0x4000, s15  }
0x26: {  	s17 =	simm.s32 $0x0;
	[sflag:s4] =	ssyncadd.s32 $0xFFFFC000;
	s15 =	sor.u32 $0x8000, s16  }
.LBB1_3:
0x27: {  	s18 =	sshll.u32 s17, $0x8  }
0x28: {  	s18 =	sand.u32 $0x3FFFFF00, s18  }
0x29: {  	s19 =	sshll.u32 s17, $0x7;
	s18 =	sadd.s32 s18, s16  }
0x2a: {  	s19 =	sand.u32 $0x3FFFFF80, s19;
	v0 =	vmov s18  }
0x2b: {  	s19 =	sadd.s32 s19, s15  }
0x2c: {  	p0 =	por $0x1, $0x1;
	v1 =	vmov s19;
	s18 =	simm.s32 $0x0  }
.LBB1_4:
0x2d: {  	s19 =	sshll.u32 s18, $0x7  }
0x2e: {  	s19 =	sand.u32 $0x3FFFFF80, s19  }
0x2f: {  	v2 =	vld.idx.msk [tilespmem:v0+s19+$0x0 ss:$0x1], $0xffff  }
0x30: {  	v3 =	vld.idx.msk [tilespmem:v0+s19+$0x10 ss:$0x1], $0xffff  }
0x31: {  	v4 =	vld.idx.msk [tilespmem:v0+s19+$0x20 ss:$0x1], $0xffff  }
0x32: {  	s31 =	sshll.u32 s18, $0xD;
	v5 =	vld.idx.msk [tilespmem:v0+s19+$0x30 ss:$0x1], $0xffff  }
0x33: {  	s18 =	sand.u32 $0x3FFFE000, s31;
	v6 =	vld.idx.msk [tilespmem:v0+s19+$0x40 ss:$0x1], $0xffff  }
0x34: {  	v63 =	vld.idx.msk [tilespmem:v0+s19+$0x70 ss:$0x1], $0xffff;
	[tilespmem:v1+s18+$0x0 ss:$0x1] =	vst.idx.msk $0xffff, v2  }
0x35: {  	v2 =	vld.idx.msk [tilespmem:v0+s19+$0x50 ss:$0x1], $0xffff;
	[tilespmem:v1+s18+$0x10 ss:$0x1] =	vst.idx.msk $0xffff, v3  }
0x36: {  	p1 =	por p0, p0;
	v3 =	vld.idx.msk [tilespmem:v0+s19+$0x60 ss:$0x1], $0xffff;
	[tilespmem:v1+s18+$0x20 ss:$0x1] =	vst.idx.msk $0xffff, v4  }
.Ltmp3:
0x37: {  	[tilespmem:v1+s18+$0x30 ss:$0x1] =	vst.idx.msk $0xffff, v5;
	(pc) =	sbr.rel @p1 .LBB1_4-.Ltmp3, $4  }
0x38: {  	[tilespmem:v1+s18+$0x40 ss:$0x1] =	vst.idx.msk $0xffff, v6  }
0x39: {  	[tilespmem:v1+s18+$0x70 ss:$0x1] =	vst.idx.msk $0xffff, v63  }
0x3a: {  	[tilespmem:v1+s18+$0x50 ss:$0x1] =	vst.idx.msk $0xffff, v2  }
0x3b: {  	p0 =	por $0x0, $0x0;
	[tilespmem:v1+s18+$0x60 ss:$0x1] =	vst.idx.msk $0xffff, v3;
	s18 =	simm.s32 $0x1  }
0x3c: {  	s17 =	sadd.s32 $0x1, s17  }
0x3d: {  	p0 =	sne.s32 s17, $0x40  }
.Ltmp4:
0x3e: {  	_ = 	snop;
	(pc) =	sbr.rel @p0 .LBB1_3-.Ltmp4, $1  }
0x3f: {  	_ =	sdelay $0x3  }
.Ltmp5:
0x40: {  	s14 =	sshll.u32 s14, $0x4;
	(pc) =	sbr.rel .LBB1_7-.Ltmp5, $4  }
0x41: {  	s14 =	sand.u32 $0xFFF0, s14  }
0x42: {  	s13 =	sshll.u32 s13, $0x10;
	s14 =	sadd.s32 s3, s14  }
0x43: {  	s13 =	sadd.s32 s13, s14  }
0x44: {  	[hbm4b:s13+s8] =	stream.strided.scatter [tilespmem:s15], [sflag:$0x2], $0x4000, s9, s8, $0x38;
	[tilespmem:$0x10000] =	vst v63  }
.LBB1_8:
0x45: {  	_ =	sfence.sel $0x180000  }
0x46: {  	s2 =	simm.s32 $0x1;
	[bflag:$0x0] =	sbarrier.arrive $0xFFFF  }
0x47: {  	s31 =	simm.s32 $0x2;
	[sflag:s2] =	ssyncpa.u1 $0x1  }
0x48: {  	[sflag:s31] =	ssyncpa.u1 $0x1  }
0x49: {  	p0 =	sne.s32 s0, $0x0;
	_ =	strace $0x9000004A  }
0x4a: {  	s0 =	sadd.s32 @!p0 $0x100000, s1;
	[bflag:$0x2] =	sbarrier.arrive $0xFFFF  }
0x4b: {  	[sflag:s0] =	ssyncadd.tile.s32 @!p0 $0x1;
	_ =	shalt  }
.Lfunc_end1:
_tile_overlayer_lowered:
.L_overlay_start_2:
0x4c: {  	(tag) =	ssettag $0x2  }
0x4d: {  	s0 =	rddreg [dreg:$0x0];
	s2 =	stileid.u32  }
0x4e: {  	s1 =	rddreg [dreg:$0x1];
	p0 =	sne.s32 s2, $0x0  }
0x4f: {  	s3 =	rddreg [dreg:$0x2];
	[bflag:$0x3] =	sbarrier.arrive $0xFFFF;
	s2 =	simm.s32 @!p0 $0x1C01  }
0x50: {  	[timem:s3], [sflag:s2] =	dma.local @!p0 [hbm:s0], s1  }
0x51: {  	s0 =	simm.s32 @!p0 $0x1  }
0x52: {  	_ =	swait.ge @!p0 [sflag:s0], s1  }
0x53: {  	s1 =	ssub.s32 @!p0 $0x0, s1;
	[sflag:s0] =	ssyncset.done @!p0 $0x0  }
0x54: {  	[sflag:s0] =	ssyncadd.s32 @!p0 s1  }
0x55: {  	[bflag:$0x3] =	sbarrier.arrive $0xFFFF  }
0x56: {  	_ =	shalt  }

</sc_bundles>
